<compile_context>
chip_gen: v7x
topology: tpu7x:2x2x1
jax: 0.10.2.dev20260603
libtpu: 0.0.44.dev20260713+nightly
codegen_flags: <defaults>
</compile_context>

<pallas_src>
import functools

import jax
import jax.numpy as jnp
from jax import lax
from jax.experimental import pallas as pl
from jax.experimental.pallas import tpu as pltpu
from jax.experimental.pallas import tpu_sc as plsc

N = 10000
NPAD = 10240
E = 320000
CHUNK = 128
NCROWS = 2560
E_PAD = NCROWS * CHUNK
NC, NS = 2, 16
ROWS_16 = NCROWS // NS
ROWS_32 = NCROWS // (NC * NS)
BI = 40
BD = 40
RPT = NPAD // NS
IN_CH, HID, OUT_CH = 128, 256, 128
D = 128
BR = 256
GRID = NPAD // BR

f32 = jnp.float32
_mesh = plsc.VectorSubcoreMesh(core_axis_name="c", subcore_axis_name="s")



@functools.partial(
    pl.kernel,
    out_type=jax.ShapeDtypeStruct((NC, NPAD, D), f32),
    mesh=_mesh,
    scratch_types=[
        pltpu.VMEM((BD, CHUNK), jnp.int32),
        pltpu.VMEM((CHUNK, D), f32),
        pltpu.VMEM_SHARED((NPAD, D), f32),
        pltpu.SemaphoreType.DMA,
    ],
)
def _deg_kernel(dst2d, ones128, zeros128, degp, dstv, ones_v, deg_sh, dsem):
    c = lax.axis_index("c")
    s = lax.axis_index("s")
    wid = c * NS + s
    pltpu.sync_copy(zeros128.at[pl.ds(s * RPT, RPT)],
                    deg_sh.at[pl.ds(s * RPT, RPT)])
    pltpu.sync_copy(ones128, ones_v)
    plsc.subcore_barrier()

    def block(b, carry):
        pltpu.sync_copy(dst2d.at[pl.ds(wid * ROWS_32 + b * BD, BD)], dstv)

        def fire(i, carry2):
            pltpu.async_copy(ones_v, deg_sh.at[dstv.at[i]], dsem, add=True)
            return carry2

        lax.fori_loop(0, BD, fire, 0)

        def drain(i, carry2):
            pltpu.make_async_copy(ones_v, deg_sh.at[dstv.at[i]], dsem).wait()
            return carry2

        return lax.fori_loop(0, BD, drain, carry)

    lax.fori_loop(0, ROWS_32 // BD, block, 0)
    plsc.subcore_barrier()
    pltpu.sync_copy(deg_sh.at[pl.ds(s * RPT, RPT)],
                    degp.at[c, pl.ds(s * RPT, RPT)])


def _edge_accumulate(tbl_hbm, srcs2d, dst2d, srcv, dstv, rows_v, agg_sh,
                     gs0, gs1, ss0, ss1, src_page, row_base, nrows):

    def gather(k, buf, sem):
        return pltpu.make_async_copy(tbl_hbm.at[srcv.at[k]],
                                     rows_v.at[buf], sem)

    def scat(k, buf, sem):
        return pltpu.make_async_copy(rows_v.at[buf],
                                     agg_sh.at[dstv.at[k]], sem)

    def block(b, carry):
        pltpu.sync_copy(srcs2d.at[src_page, pl.ds(row_base + b * BI, BI)],
                        srcv)
        pltpu.sync_copy(dst2d.at[pl.ds(row_base + b * BI, BI)], dstv)
        pltpu.async_copy(tbl_hbm.at[srcv.at[0]], rows_v.at[0], gs0)

        def pair(j, carry2):
            k0 = 2 * j
            k1 = k0 + 1
            gather(k0, 0, gs0).wait()
            pltpu.async_copy(rows_v.at[0], agg_sh.at[dstv.at[k0]], ss0,
                             add=True)

            @pl.when(j > 0)
            def _():
                scat(k0 - 1, 1, ss1).wait()

            pltpu.async_copy(tbl_hbm.at[srcv.at[k1]], rows_v.at[1], gs1)
            gather(k1, 1, gs1).wait()
            pltpu.async_copy(rows_v.at[1], agg_sh.at[dstv.at[k1]], ss1,
                             add=True)
            scat(k0, 0, ss0).wait()

            @pl.when(j < BI // 2 - 1)
            def _():
                pltpu.async_copy(tbl_hbm.at[srcv.at[k0 + 2]], rows_v.at[0],
                                 gs0)

            return carry2

        lax.fori_loop(0, BI // 2, pair, 0)
        scat(BI - 1, 1, ss1).wait()
        return carry

    lax.fori_loop(0, nrows // BI, block, 0)


@functools.partial(
    pl.kernel,
    out_type=jax.ShapeDtypeStruct((NC, NPAD, D), f32),
    mesh=_mesh,
    scratch_types=[
        pltpu.VMEM((BI, CHUNK), jnp.int32),
        pltpu.VMEM((BI, CHUNK), jnp.int32),
        pltpu.VMEM((2, CHUNK, D), f32),
        pltpu.VMEM_SHARED((NPAD, D), f32),
        pltpu.SemaphoreType.DMA,
        pltpu.SemaphoreType.DMA,
        pltpu.SemaphoreType.DMA,
        pltpu.SemaphoreType.DMA,
    ],
)
def _agg1_kernel(p_stack, srcs2d, dst2d, zeros128,
                 agg1, srcv, dstv, rows_v, agg_sh, gs0, gs1, ss0, ss1):
    c = lax.axis_index("c")
    s = lax.axis_index("s")
    pltpu.sync_copy(zeros128.at[pl.ds(s * RPT, RPT)],
                    agg_sh.at[pl.ds(s * RPT, RPT)])
    plsc.subcore_barrier()
    _edge_accumulate(p_stack, srcs2d, dst2d, srcv, dstv, rows_v, agg_sh,
                     gs0, gs1, ss0, ss1, c, s * ROWS_16, ROWS_16)
    plsc.subcore_barrier()
    pltpu.sync_copy(agg_sh.at[pl.ds(s * RPT, RPT)],
                    agg1.at[c, pl.ds(s * RPT, RPT)])


@functools.partial(
    pl.kernel,
    out_type=jax.ShapeDtypeStruct((NC, NPAD, D), f32),
    mesh=_mesh,
    scratch_types=[
        pltpu.VMEM((BI, CHUNK), jnp.int32),
        pltpu.VMEM((BI, CHUNK), jnp.int32),
        pltpu.VMEM((2, CHUNK, D), f32),
        pltpu.VMEM_SHARED((NPAD, D), f32),
        pltpu.SemaphoreType.DMA,
        pltpu.SemaphoreType.DMA,
        pltpu.SemaphoreType.DMA,
        pltpu.SemaphoreType.DMA,
    ],
)
def _agg2_kernel(p2, srcs2d, dst2d, zeros128,
                 agg2, srcv, dstv, rows_v, agg_sh, gs0, gs1, ss0, ss1):
    c = lax.axis_index("c")
    s = lax.axis_index("s")
    wid = c * NS + s
    pltpu.sync_copy(zeros128.at[pl.ds(s * RPT, RPT)],
                    agg_sh.at[pl.ds(s * RPT, RPT)])
    plsc.subcore_barrier()
    _edge_accumulate(p2, srcs2d, dst2d, srcv, dstv, rows_v, agg_sh,
                     gs0, gs1, ss0, ss1, 0, wid * ROWS_32, ROWS_32)
    plsc.subcore_barrier()
    pltpu.sync_copy(agg_sh.at[pl.ds(s * RPT, RPT)],
                    agg2.at[c, pl.ds(s * RPT, RPT)])



def _dinv_block(degp_ref):
    deg = degp_ref[0, :, :1] + degp_ref[1, :, :1] + 1.0
    return lax.rsqrt(deg)


def _tc1a_body(x_ref, w1_ref, h_ref):
    h_ref[...] = jnp.dot(x_ref[...], w1_ref[...], preferred_element_type=f32)


_tc1a = pl.pallas_call(
    _tc1a_body,
    grid=(GRID, NC),
    in_specs=[
        pl.BlockSpec((BR, IN_CH), lambda i, j: (i, 0)),
        pl.BlockSpec((IN_CH, D), lambda i, j: (0, j)),
    ],
    out_specs=pl.BlockSpec((BR, D), lambda i, j: (j * GRID + i, 0)),
    out_shape=jax.ShapeDtypeStruct((NC * NPAD, D), f32),
)


def _tc1b_body(h_ref, degp_ref, p_ref):
    dinv = _dinv_block(degp_ref)
    p_ref[...] = h_ref[...] * dinv


_tc1b = pl.pallas_call(
    _tc1b_body,
    grid=(GRID, NC),
    in_specs=[
        pl.BlockSpec((BR, D), lambda i, j: (j * GRID + i, 0)),
        pl.BlockSpec((NC, BR, D), lambda i, j: (0, i, 0)),
    ],
    out_specs=pl.BlockSpec((BR, D), lambda i, j: (j * GRID + i, 0)),
    out_shape=jax.ShapeDtypeStruct((NC * NPAD, D), f32),
)


def _tc2_body(agg1_ref, pa_ref, pb_ref, degp_ref, b1r_ref, w2_ref, p2_ref):
    dinv = _dinv_block(degp_ref)
    ya = jax.nn.relu(dinv * (agg1_ref[0] + pa_ref[...]) + b1r_ref[0:1, :])
    yb = jax.nn.relu(dinv * (agg1_ref[1] + pb_ref[...]) + b1r_ref[1:2, :])
    h2 = (jnp.dot(ya, w2_ref[:D, :], preferred_element_type=f32)
          + jnp.dot(yb, w2_ref[D:, :], preferred_element_type=f32))
    p2_ref[...] = h2 * dinv


_tc2 = pl.pallas_call(
    _tc2_body,
    grid=(GRID,),
    in_specs=[
        pl.BlockSpec((NC, BR, D), lambda i: (0, i, 0)),
        pl.BlockSpec((BR, D), lambda i: (i, 0)),
        pl.BlockSpec((BR, D), lambda i: (GRID + i, 0)),
        pl.BlockSpec((NC, BR, D), lambda i: (0, i, 0)),
        pl.BlockSpec((2, D), lambda i: (0, 0)),
        pl.BlockSpec((HID, OUT_CH), lambda i: (0, 0)),
    ],
    out_specs=pl.BlockSpec((BR, OUT_CH), lambda i: (i, 0)),
    out_shape=jax.ShapeDtypeStruct((NPAD, OUT_CH), f32),
)


def _tc3_body(agg2_ref, p2_ref, degp_ref, b2r_ref, o_ref):
    dinv = _dinv_block(degp_ref)
    o_ref[...] = dinv * (agg2_ref[0] + agg2_ref[1] + p2_ref[...]) \
        + b2r_ref[...]


_tc3 = pl.pallas_call(
    _tc3_body,
    grid=(GRID,),
    in_specs=[
        pl.BlockSpec((NC, BR, D), lambda i: (0, i, 0)),
        pl.BlockSpec((BR, D), lambda i: (i, 0)),
        pl.BlockSpec((NC, BR, D), lambda i: (0, i, 0)),
        pl.BlockSpec((1, OUT_CH), lambda i: (0, 0)),
    ],
    out_specs=pl.BlockSpec((BR, OUT_CH), lambda i: (i, 0)),
    out_shape=jax.ShapeDtypeStruct((NPAD, OUT_CH), f32),
)



def kernel(x, edge_index, W1, b1, W2, b2):
    src = edge_index[0].astype(jnp.int32)
    dst = edge_index[1].astype(jnp.int32)
    npe = E_PAD - E
    pad_src = (jnp.arange(npe, dtype=jnp.int32) * 131) % N
    pad_dst = (NPAD - 32) + (jnp.arange(npe, dtype=jnp.int32) % 32)
    src_f = jnp.concatenate([src, pad_src])
    srcs2d = jnp.stack([src_f, src_f + NPAD]).reshape(NC, NCROWS, CHUNK)
    dst2d = jnp.concatenate([dst, pad_dst]).reshape(NCROWS, CHUNK)

    x_pad = jnp.pad(x, ((0, NPAD - N), (0, 0)))
    zeros128 = jnp.zeros((NPAD, D), f32)
    ones128 = jnp.ones((CHUNK, D), f32)

    degp = _deg_kernel(dst2d, ones128, zeros128)
    h_stack = _tc1a(x_pad, W1)
    p_stack = _tc1b(h_stack, degp)
    agg1 = _agg1_kernel(p_stack, srcs2d, dst2d, zeros128)
    p2 = _tc2(agg1, p_stack, p_stack, degp, b1.reshape(2, D), W2)
    agg2 = _agg2_kernel(p2, srcs2d, dst2d, zeros128)
    out = _tc3(agg2, p2, degp, b2.reshape(1, OUT_CH))
    return out[:N]

# --- scband reference (transcript-rebuilt; emitter-appended) ---
"""Pipeline reference for scband-gcn-66915590472235 (READ-ONLY COPY).

The authoritative reference and input builder live on the scoring server;
editing this copy changes nothing except your own understanding.
"""

import jax, jax.numpy as jnp
import numpy as np

N_NODES = 10000
N_EDGES = 320000
IN_CH = 128
HID_CH = 256
OUT_CH = 128


def setup_inputs(seed: int = 0) -> dict:
    key = jax.random.key(seed)
    k1, k2, k3, k4, k5, k6 = jax.random.split(key, 6)
    x = jax.random.normal(k1, (N_NODES, IN_CH), dtype=jnp.float32)
    edge_index = jax.random.randint(k2, (2, N_EDGES), 0, N_NODES, dtype=jnp.int64)
    # Glorot-style init for GCNConv weights, zeros for bias (PyG default)
    s1 = (6.0 / (IN_CH + HID_CH)) ** 0.5
    W1 = jax.random.uniform(k3, (IN_CH, HID_CH), dtype=jnp.float32, minval=-s1, maxval=s1)
    b1 = jnp.zeros((HID_CH,), dtype=jnp.float32)
    s2 = (6.0 / (HID_CH + OUT_CH)) ** 0.5
    W2 = jax.random.uniform(k4, (HID_CH, OUT_CH), dtype=jnp.float32, minval=-s2, maxval=s2)
    b2 = jnp.zeros((OUT_CH,), dtype=jnp.float32)
    return {"x": x, "edge_index": edge_index, "W1": W1, "b1": b1, "W2": W2, "b2": b2}


def _gcn_conv(x, src, dst, W, b, num_nodes):
    # PyG GCNConv: out = D^{-1/2} (A + I) D^{-1/2} X W + b
    loop = jnp.arange(num_nodes, dtype=src.dtype)
    src_f = jnp.concatenate([src, loop])
    dst_f = jnp.concatenate([dst, loop])
    ones = jnp.ones(src_f.shape[0], dtype=x.dtype)
    deg = jnp.zeros((num_nodes,), dtype=x.dtype).at[dst_f].add(ones)
    dinv = jnp.where(deg > 0, deg ** -0.5, 0.0)
    norm = dinv[src_f] * dinv[dst_f]
    h = x @ W
    msg = h[src_f] * norm[:, None]
    out = jax.ops.segment_sum(msg, dst_f, num_segments=num_nodes)
    return out + b


def reference(x, edge_index, W1, b1, W2, b2):
    src = edge_index[0]
    dst = edge_index[1]
    h = _gcn_conv(x, src, dst, W1, b1, N_NODES)
    h = jax.nn.relu(h)
    # dropout is identity in eval mode
    out = _gcn_conv(h, src, dst, W2, b2, N_NODES)
    return out

if __name__ == "__main__":
    import jax
    _d = setup_inputs()
    print(jax.jit(kernel)(*tuple(_d.values())))

</pallas_src>

<mosaic_0001>
#map = affine_map<(d0, d1) -> (0, 0)>
#map1 = affine_map<(d0, d1) -> (0, 0, 0)>
module attributes {stable_mosaic.version = 14 : i64} {
  func.func @_deg_kernel(%arg0: i32, %arg1: i32, %arg2: memref<2560x128xi32, #tpu.memory_space<hbm>>, %arg3: memref<128x128xf32, #tpu.memory_space<hbm>>, %arg4: memref<10240x128xf32, #tpu.memory_space<hbm>>, %arg5: memref<2x10240x128xf32, #tpu.memory_space<hbm>>, %arg6: memref<40x128xi32, #tpu.memory_space<vmem>>, %arg7: memref<128x128xf32, #tpu.memory_space<vmem>>, %arg8: memref<10240x128xf32, #tpu.memory_space<vmem_shared>>, %arg9: memref<!tpu.dma_semaphore, #tpu.memory_space<semaphore_mem>>) attributes {dimension_semantics = [#tpu.dimension_semantics<core_parallel>, #tpu.dimension_semantics<subcore_parallel>], iteration_bounds = array<i64: 2, 16>, scalar_prefetch = 0 : i64, scratch_operands = 4 : i64, tpu.core_type = #tpu.core_type<sc_vector_subcore>, window_params = [{transform_indices = #map}, {transform_indices = #map}, {transform_indices = #map}, {transform_indices = #map1}]} {
    %mul3A = arith.constant 16 : i32
    %mul3A_0 = arith.muli %arg0, %mul3A : i32
    %add3A = arith.addi %mul3A_0, %arg1 : i32
    %mul3A_1 = arith.constant 640 : i32
    %mul3A_2 = arith.muli %arg1, %mul3A_1 : i32
    %mul3A_3 = arith.constant 640 : i32
    %mul3A_4 = arith.muli %arg1, %mul3A_3 : i32
    "tpu.region"() ({
      %run_scoped3A = tpu.sem_alloc : memref<!tpu.dma_semaphore, #tpu.memory_space<semaphore_mem>>
      %dma_start3A = arith.constant 0 : i32
      %dma_start3A_15 = tpu.memref_slice %arg8[%mul3A_4, %dma_start3A] : memref<10240x128xf32, #tpu.memory_space<vmem_shared>> -> memref<640x128xf32, #tpu.memory_space<vmem_shared>>
      %dma_start3A_16 = arith.constant 0 : i32
      %dma_start3A_17 = tpu.memref_slice %arg4[%mul3A_2, %dma_start3A_16] : memref<10240x128xf32, #tpu.memory_space<hbm>> -> memref<640x128xf32, #tpu.memory_space<hbm>>
      tpu.enqueue_dma source(%dma_start3A_17 : memref<640x128xf32, #tpu.memory_space<hbm>>) target(%dma_start3A_15 : memref<640x128xf32, #tpu.memory_space<vmem_shared>>) target_semaphore(%run_scoped3A : memref<!tpu.dma_semaphore, #tpu.memory_space<semaphore_mem>>)
      %dma_wait3A = arith.constant 0 : i32
      %dma_wait3A_18 = tpu.memref_slice %arg8[%mul3A_4, %dma_wait3A] : memref<10240x128xf32, #tpu.memory_space<vmem_shared>> -> memref<640x128xf32, #tpu.memory_space<vmem_shared>>
      %dma_wait3A_19 = arith.constant 0 : i32
      %dma_wait3A_20 = tpu.memref_slice %arg4[%mul3A_2, %dma_wait3A_19] : memref<10240x128xf32, #tpu.memory_space<hbm>> -> memref<640x128xf32, #tpu.memory_space<hbm>>
      tpu.wait_dma2 semaphore(%run_scoped3A : memref<!tpu.dma_semaphore, #tpu.memory_space<semaphore_mem>>) src(%dma_wait3A_20 : memref<640x128xf32, #tpu.memory_space<hbm>>) dst(%dma_wait3A_18 : memref<640x128xf32, #tpu.memory_space<vmem_shared>>)
      tpu.yield
    }) : () -> ()
    "tpu.region"() ({
      %run_scoped3A = tpu.sem_alloc : memref<!tpu.dma_semaphore, #tpu.memory_space<semaphore_mem>>
      tpu.enqueue_dma source(%arg3 : memref<128x128xf32, #tpu.memory_space<hbm>>) target(%arg7 : memref<128x128xf32, #tpu.memory_space<vmem>>) target_semaphore(%run_scoped3A : memref<!tpu.dma_semaphore, #tpu.memory_space<semaphore_mem>>)
      tpu.wait_dma2 semaphore(%run_scoped3A : memref<!tpu.dma_semaphore, #tpu.memory_space<semaphore_mem>>) src(%arg3 : memref<128x128xf32, #tpu.memory_space<hbm>>) dst(%arg7 : memref<128x128xf32, #tpu.memory_space<vmem>>)
      tpu.yield
    }) : () -> ()
    %barrier3A = arith.constant 0 : index
    tpu.barrier barrier_id(%barrier3A)
    %scan3A = arith.constant 0 : i32
    %scan3A_5 = arith.constant 0 : i32
    %scan3A_6 = arith.constant 2 : i32
    %scan3A_7 = arith.addi %scan3A_5, %scan3A_6 : i32
    %scan3A_8 = arith.constant 1 : i32
    scf.for %scan3A_15 = %scan3A_5 to %scan3A_7 step %scan3A_8  : i32 {
      %mul3A_16 = arith.constant 80 : i32
      %mul3A_17 = arith.muli %add3A, %mul3A_16 : i32
      %mul3A_18 = arith.constant 40 : i32
      %mul3A_19 = arith.muli %scan3A_15, %mul3A_18 : i32
      %add3A_20 = arith.addi %mul3A_17, %mul3A_19 : i32
      "tpu.region"() ({
        %run_scoped3A = tpu.sem_alloc : memref<!tpu.dma_semaphore, #tpu.memory_space<semaphore_mem>>
        %dma_start3A = arith.constant 0 : i32
        %dma_start3A_32 = tpu.memref_slice %arg2[%add3A_20, %dma_start3A] : memref<2560x128xi32, #tpu.memory_space<hbm>> -> memref<40x128xi32, #tpu.memory_space<hbm>>
        %dma_start3A_33 = arith.constant 0 : i32
        %dma_start3A_34 = tpu.memref_slice %arg2[%add3A_20, %dma_start3A_33] : memref<2560x128xi32, #tpu.memory_space<hbm>> -> memref<40x128xi32, #tpu.memory_space<hbm>>
        tpu.enqueue_dma source(%dma_start3A_34 : memref<40x128xi32, #tpu.memory_space<hbm>>) target(%arg6 : memref<40x128xi32, #tpu.memory_space<vmem>>) target_semaphore(%run_scoped3A : memref<!tpu.dma_semaphore, #tpu.memory_space<semaphore_mem>>)
        %dma_wait3A = arith.constant 0 : i32
        %dma_wait3A_35 = tpu.memref_slice %arg2[%add3A_20, %dma_wait3A] : memref<2560x128xi32, #tpu.memory_space<hbm>> -> memref<40x128xi32, #tpu.memory_space<hbm>>
        %dma_wait3A_36 = arith.constant 0 : i32
        %dma_wait3A_37 = tpu.memref_slice %arg2[%add3A_20, %dma_wait3A_36] : memref<2560x128xi32, #tpu.memory_space<hbm>> -> memref<40x128xi32, #tpu.memory_space<hbm>>
        tpu.wait_dma2 semaphore(%run_scoped3A : memref<!tpu.dma_semaphore, #tpu.memory_space<semaphore_mem>>) src(%dma_wait3A_37 : memref<40x128xi32, #tpu.memory_space<hbm>>) dst(%arg6 : memref<40x128xi32, #tpu.memory_space<vmem>>)
        tpu.yield
      }) : () -> ()
      %scan3A_21 = arith.constant 0 : i32
      %scan3A_22 = arith.constant 0 : i32
      %scan3A_23 = arith.constant 40 : i32
      %scan3A_24 = arith.addi %scan3A_22, %scan3A_23 : i32
      %scan3A_25 = arith.constant 1 : i32
      scf.for %scan3A_32 = %scan3A_22 to %scan3A_24 step %scan3A_25  : i32 {
        %dma_start3A = arith.constant 0 : i32
        %dma_start3A_33 = tpu.memref_slice %arg6[%scan3A_32, %dma_start3A] : memref<40x128xi32, #tpu.memory_space<vmem>> -> memref<1x128xi32, #tpu.memory_space<vmem>>
        %dma_start3A_34 = tpu.memref_squeeze %dma_start3A_33 : memref<1x128xi32, #tpu.memory_space<vmem>> -> memref<128xi32, #tpu.memory_space<vmem>>
        %dma_start3A_35 = arith.constant 0 : i32
        %dma_start3A_36 = arith.constant 0 : i32
        %dma_start3A_37 = tpu.memref_slice %arg8[%dma_start3A_35, %dma_start3A_36] : memref<10240x128xf32, #tpu.memory_space<vmem_shared>> -> memref<10240x128xf32, #tpu.memory_space<vmem_shared>>
        tpu.enqueue_indirect_dma source(%arg7 : memref<128x128xf32, #tpu.memory_space<vmem>>) target(%dma_start3A_37 : memref<10240x128xf32, #tpu.memory_space<vmem_shared>>) offsets(%dma_start3A_34 : memref<128xi32, #tpu.memory_space<vmem>>) semaphore(%arg9 : memref<!tpu.dma_semaphore, #tpu.memory_space<semaphore_mem>>) {add = true}
      }
      %scan3A_26 = arith.constant 40 : i32
      %scan3A_27 = arith.constant 0 : i32
      %scan3A_28 = arith.constant 40 : i32
      %scan3A_29 = arith.addi %scan3A_27, %scan3A_28 : i32
      %scan3A_30 = arith.constant 1 : i32
      scf.for %scan3A_32 = %scan3A_27 to %scan3A_29 step %scan3A_30  : i32 {
        %dma_wait3A = arith.constant 0 : i32
        %dma_wait3A_33 = tpu.memref_slice %arg6[%scan3A_32, %dma_wait3A] : memref<40x128xi32, #tpu.memory_space<vmem>> -> memref<1x128xi32, #tpu.memory_space<vmem>>
        %dma_wait3A_34 = tpu.memref_squeeze %dma_wait3A_33 : memref<1x128xi32, #tpu.memory_space<vmem>> -> memref<128xi32, #tpu.memory_space<vmem>>
        %dma_wait3A_35 = arith.constant 0 : i32
        %dma_wait3A_36 = arith.constant 0 : i32
        %dma_wait3A_37 = tpu.memref_slice %arg8[%dma_wait3A_35, %dma_wait3A_36] : memref<10240x128xf32, #tpu.memory_space<vmem_shared>> -> memref<10240x128xf32, #tpu.memory_space<vmem_shared>>
        tpu.wait_indirect_dma semaphore(%arg9 : memref<!tpu.dma_semaphore, #tpu.memory_space<semaphore_mem>>) src(%arg7 : memref<128x128xf32, #tpu.memory_space<vmem>>) dst(%dma_wait3A_37 : memref<10240x128xf32, #tpu.memory_space<vmem_shared>>)
      }
      %scan3A_31 = arith.constant 40 : i32
    }
    %scan3A_9 = arith.constant 2 : i32
    %barrier3A_10 = arith.constant 0 : index
    tpu.barrier barrier_id(%barrier3A_10)
    %mul3A_11 = arith.constant 640 : i32
    %mul3A_12 = arith.muli %arg1, %mul3A_11 : i32
    %mul3A_13 = arith.constant 640 : i32
    %mul3A_14 = arith.muli %arg1, %mul3A_13 : i32
    "tpu.region"() ({
      %run_scoped3A = tpu.sem_alloc : memref<!tpu.dma_semaphore, #tpu.memory_space<semaphore_mem>>
      %dma_start3A = arith.constant 0 : i32
      %dma_start3A_15 = tpu.memref_slice %arg5[%arg0, %mul3A_14, %dma_start3A] : memref<2x10240x128xf32, #tpu.memory_space<hbm>> -> memref<1x640x128xf32, #tpu.memory_space<hbm>>
      %dma_start3A_16 = tpu.memref_squeeze %dma_start3A_15 : memref<1x640x128xf32, #tpu.memory_space<hbm>> -> memref<640x128xf32, #tpu.memory_space<hbm>>
      %dma_start3A_17 = arith.constant 0 : i32
      %dma_start3A_18 = tpu.memref_slice %arg8[%mul3A_12, %dma_start3A_17] : memref<10240x128xf32, #tpu.memory_space<vmem_shared>> -> memref<640x128xf32, #tpu.memory_space<vmem_shared>>
      tpu.enqueue_dma source(%dma_start3A_18 : memref<640x128xf32, #tpu.memory_space<vmem_shared>>) target(%dma_start3A_16 : memref<640x128xf32, #tpu.memory_space<hbm>>) target_semaphore(%run_scoped3A : memref<!tpu.dma_semaphore, #tpu.memory_space<semaphore_mem>>)
      %dma_wait3A = arith.constant 0 : i32
      %dma_wait3A_19 = tpu.memref_slice %arg5[%arg0, %mul3A_14, %dma_wait3A] : memref<2x10240x128xf32, #tpu.memory_space<hbm>> -> memref<1x640x128xf32, #tpu.memory_space<hbm>>
      %dma_wait3A_20 = tpu.memref_squeeze %dma_wait3A_19 : memref<1x640x128xf32, #tpu.memory_space<hbm>> -> memref<640x128xf32, #tpu.memory_space<hbm>>
      %dma_wait3A_21 = arith.constant 0 : i32
      %dma_wait3A_22 = tpu.memref_slice %arg8[%mul3A_12, %dma_wait3A_21] : memref<10240x128xf32, #tpu.memory_space<vmem_shared>> -> memref<640x128xf32, #tpu.memory_space<vmem_shared>>
      tpu.wait_dma2 semaphore(%run_scoped3A : memref<!tpu.dma_semaphore, #tpu.memory_space<semaphore_mem>>) src(%dma_wait3A_22 : memref<640x128xf32, #tpu.memory_space<vmem_shared>>) dst(%dma_wait3A_20 : memref<640x128xf32, #tpu.memory_space<hbm>>)
      tpu.yield
    }) : () -> ()
    return
  }
}

#map = affine_map<(d0, d1) -> (0, 0)>
#map1 = affine_map<(d0, d1) -> (0, 0, 0)>
module attributes {stable_mosaic.version = 14 : i64} {
  func.func @_agg1_kernel(%arg0: i32, %arg1: i32, %arg2: memref<20480x128xf32, #tpu.memory_space<hbm>>, %arg3: memref<2x2560x128xi32, #tpu.memory_space<hbm>>, %arg4: memref<2560x128xi32, #tpu.memory_space<hbm>>, %arg5: memref<10240x128xf32, #tpu.memory_space<hbm>>, %arg6: memref<2x10240x128xf32, #tpu.memory_space<hbm>>, %arg7: memref<40x128xi32, #tpu.memory_space<vmem>>, %arg8: memref<40x128xi32, #tpu.memory_space<vmem>>, %arg9: memref<2x128x128xf32, #tpu.memory_space<vmem>>, %arg10: memref<10240x128xf32, #tpu.memory_space<vmem_shared>>, %arg11: memref<!tpu.dma_semaphore, #tpu.memory_space<semaphore_mem>>, %arg12: memref<!tpu.dma_semaphore, #tpu.memory_space<semaphore_mem>>, %arg13: memref<!tpu.dma_semaphore, #tpu.memory_space<semaphore_mem>>, %arg14: memref<!tpu.dma_semaphore, #tpu.memory_space<semaphore_mem>>) attributes {dimension_semantics = [#tpu.dimension_semantics<core_parallel>, #tpu.dimension_semantics<subcore_parallel>], iteration_bounds = array<i64: 2, 16>, scalar_prefetch = 0 : i64, scratch_operands = 8 : i64, tpu.core_type = #tpu.core_type<sc_vector_subcore>, window_params = [{transform_indices = #map}, {transform_indices = #map1}, {transform_indices = #map}, {transform_indices = #map}, {transform_indices = #map1}]} {
    %mul3A = arith.constant 640 : i32
    %mul3A_0 = arith.muli %arg1, %mul3A : i32
    %mul3A_1 = arith.constant 640 : i32
    %mul3A_2 = arith.muli %arg1, %mul3A_1 : i32
    "tpu.region"() ({
      %run_scoped3A = tpu.sem_alloc : memref<!tpu.dma_semaphore, #tpu.memory_space<semaphore_mem>>
      %dma_start3A = arith.constant 0 : i32
      %dma_start3A_15 = tpu.memref_slice %arg10[%mul3A_2, %dma_start3A] : memref<10240x128xf32, #tpu.memory_space<vmem_shared>> -> memref<640x128xf32, #tpu.memory_space<vmem_shared>>
      %dma_start3A_16 = arith.constant 0 : i32
      %dma_start3A_17 = tpu.memref_slice %arg5[%mul3A_0, %dma_start3A_16] : memref<10240x128xf32, #tpu.memory_space<hbm>> -> memref<640x128xf32, #tpu.memory_space<hbm>>
      tpu.enqueue_dma source(%dma_start3A_17 : memref<640x128xf32, #tpu.memory_space<hbm>>) target(%dma_start3A_15 : memref<640x128xf32, #tpu.memory_space<vmem_shared>>) target_semaphore(%run_scoped3A : memref<!tpu.dma_semaphore, #tpu.memory_space<semaphore_mem>>)
      %dma_wait3A = arith.constant 0 : i32
      %dma_wait3A_18 = tpu.memref_slice %arg10[%mul3A_2, %dma_wait3A] : memref<10240x128xf32, #tpu.memory_space<vmem_shared>> -> memref<640x128xf32, #tpu.memory_space<vmem_shared>>
      %dma_wait3A_19 = arith.constant 0 : i32
      %dma_wait3A_20 = tpu.memref_slice %arg5[%mul3A_0, %dma_wait3A_19] : memref<10240x128xf32, #tpu.memory_space<hbm>> -> memref<640x128xf32, #tpu.memory_space<hbm>>
      tpu.wait_dma2 semaphore(%run_scoped3A : memref<!tpu.dma_semaphore, #tpu.memory_space<semaphore_mem>>) src(%dma_wait3A_20 : memref<640x128xf32, #tpu.memory_space<hbm>>) dst(%dma_wait3A_18 : memref<640x128xf32, #tpu.memory_space<vmem_shared>>)
      tpu.yield
    }) : () -> ()
    %barrier3A = arith.constant 0 : index
    tpu.barrier barrier_id(%barrier3A)
    %mul3A_3 = arith.constant 160 : i32
    %mul3A_4 = arith.muli %arg1, %mul3A_3 : i32
    %scan3A = arith.constant 0 : i32
    %scan3A_5 = arith.constant 0 : i32
    %scan3A_6 = arith.constant 4 : i32
    %scan3A_7 = arith.addi %scan3A_5, %scan3A_6 : i32
    %scan3A_8 = arith.constant 1 : i32
    scf.for %scan3A_15 = %scan3A_5 to %scan3A_7 step %scan3A_8  : i32 {
      %mul3A_16 = arith.constant 40 : i32
      %mul3A_17 = arith.muli %scan3A_15, %mul3A_16 : i32
      %add3A = arith.addi %mul3A_4, %mul3A_17 : i32
      "tpu.region"() ({
        %run_scoped3A = tpu.sem_alloc : memref<!tpu.dma_semaphore, #tpu.memory_space<semaphore_mem>>
        %dma_start3A_49 = arith.constant 0 : i32
        %dma_start3A_50 = tpu.memref_slice %arg3[%arg0, %add3A, %dma_start3A_49] : memref<2x2560x128xi32, #tpu.memory_space<hbm>> -> memref<1x40x128xi32, #tpu.memory_space<hbm>>
        %dma_start3A_51 = tpu.memref_squeeze %dma_start3A_50 : memref<1x40x128xi32, #tpu.memory_space<hbm>> -> memref<40x128xi32, #tpu.memory_space<hbm>>
        %dma_start3A_52 = arith.constant 0 : i32
        %dma_start3A_53 = tpu.memref_slice %arg3[%arg0, %add3A, %dma_start3A_52] : memref<2x2560x128xi32, #tpu.memory_space<hbm>> -> memref<1x40x128xi32, #tpu.memory_space<hbm>>
        %dma_start3A_54 = tpu.memref_squeeze %dma_start3A_53 : memref<1x40x128xi32, #tpu.memory_space<hbm>> -> memref<40x128xi32, #tpu.memory_space<hbm>>
        tpu.enqueue_dma source(%dma_start3A_54 : memref<40x128xi32, #tpu.memory_space<hbm>>) target(%arg7 : memref<40x128xi32, #tpu.memory_space<vmem>>) target_semaphore(%run_scoped3A : memref<!tpu.dma_semaphore, #tpu.memory_space<semaphore_mem>>)
        %dma_wait3A_55 = arith.constant 0 : i32
        %dma_wait3A_56 = tpu.memref_slice %arg3[%arg0, %add3A, %dma_wait3A_55] : memref<2x2560x128xi32, #tpu.memory_space<hbm>> -> memref<1x40x128xi32, #tpu.memory_space<hbm>>
        %dma_wait3A_57 = tpu.memref_squeeze %dma_wait3A_56 : memref<1x40x128xi32, #tpu.memory_space<hbm>> -> memref<40x128xi32, #tpu.memory_space<hbm>>
        %dma_wait3A_58 = arith.constant 0 : i32
        %dma_wait3A_59 = tpu.memref_slice %arg3[%arg0, %add3A, %dma_wait3A_58] : memref<2x2560x128xi32, #tpu.memory_space<hbm>> -> memref<1x40x128xi32, #tpu.memory_space<hbm>>
        %dma_wait3A_60 = tpu.memref_squeeze %dma_wait3A_59 : memref<1x40x128xi32, #tpu.memory_space<hbm>> -> memref<40x128xi32, #tpu.memory_space<hbm>>
        tpu.wait_dma2 semaphore(%run_scoped3A : memref<!tpu.dma_semaphore, #tpu.memory_space<semaphore_mem>>) src(%dma_wait3A_60 : memref<40x128xi32, #tpu.memory_space<hbm>>) dst(%arg7 : memref<40x128xi32, #tpu.memory_space<vmem>>)
        tpu.yield
      }) : () -> ()
      %mul3A_18 = arith.constant 40 : i32
      %mul3A_19 = arith.muli %scan3A_15, %mul3A_18 : i32
      %add3A_20 = arith.addi %mul3A_4, %mul3A_19 : i32
      "tpu.region"() ({
        %run_scoped3A = tpu.sem_alloc : memref<!tpu.dma_semaphore, #tpu.memory_space<semaphore_mem>>
        %dma_start3A_49 = arith.constant 0 : i32
        %dma_start3A_50 = tpu.memref_slice %arg4[%add3A_20, %dma_start3A_49] : memref<2560x128xi32, #tpu.memory_space<hbm>> -> memref<40x128xi32, #tpu.memory_space<hbm>>
        %dma_start3A_51 = arith.constant 0 : i32
        %dma_start3A_52 = tpu.memref_slice %arg4[%add3A_20, %dma_start3A_51] : memref<2560x128xi32, #tpu.memory_space<hbm>> -> memref<40x128xi32, #tpu.memory_space<hbm>>
        tpu.enqueue_dma source(%dma_start3A_52 : memref<40x128xi32, #tpu.memory_space<hbm>>) target(%arg8 : memref<40x128xi32, #tpu.memory_space<vmem>>) target_semaphore(%run_scoped3A : memref<!tpu.dma_semaphore, #tpu.memory_space<semaphore_mem>>)
        %dma_wait3A_53 = arith.constant 0 : i32
        %dma_wait3A_54 = tpu.memref_slice %arg4[%add3A_20, %dma_wait3A_53] : memref<2560x128xi32, #tpu.memory_space<hbm>> -> memref<40x128xi32, #tpu.memory_space<hbm>>
        %dma_wait3A_55 = arith.constant 0 : i32
        %dma_wait3A_56 = tpu.memref_slice %arg4[%add3A_20, %dma_wait3A_55] : memref<2560x128xi32, #tpu.memory_space<hbm>> -> memref<40x128xi32, #tpu.memory_space<hbm>>
        tpu.wait_dma2 semaphore(%run_scoped3A : memref<!tpu.dma_semaphore, #tpu.memory_space<semaphore_mem>>) src(%dma_wait3A_56 : memref<40x128xi32, #tpu.memory_space<hbm>>) dst(%arg8 : memref<40x128xi32, #tpu.memory_space<vmem>>)
        tpu.yield
      }) : () -> ()
      %dma_start3A = arith.constant 0 : i32
      %dma_start3A_21 = arith.constant 0 : i32
      %dma_start3A_22 = arith.constant 0 : i32
      %dma_start3A_23 = arith.constant 0 : i32
      %dma_start3A_24 = tpu.memref_slice %arg9[%dma_start3A_21, %dma_start3A_22, %dma_start3A_23] : memref<2x128x128xf32, #tpu.memory_space<vmem>> -> memref<1x128x128xf32, #tpu.memory_space<vmem>>
      %dma_start3A_25 = tpu.memref_squeeze %dma_start3A_24 : memref<1x128x128xf32, #tpu.memory_space<vmem>> -> memref<128x128xf32, #tpu.memory_space<vmem>>
      %dma_start3A_26 = arith.constant 0 : i32
      %dma_start3A_27 = tpu.memref_slice %arg7[%dma_start3A, %dma_start3A_26] : memref<40x128xi32, #tpu.memory_space<vmem>> -> memref<1x128xi32, #tpu.memory_space<vmem>>
      %dma_start3A_28 = tpu.memref_squeeze %dma_start3A_27 : memref<1x128xi32, #tpu.memory_space<vmem>> -> memref<128xi32, #tpu.memory_space<vmem>>
      %dma_start3A_29 = arith.constant 0 : i32
      %dma_start3A_30 = arith.constant 0 : i32
      %dma_start3A_31 = tpu.memref_slice %arg2[%dma_start3A_29, %dma_start3A_30] : memref<20480x128xf32, #tpu.memory_space<hbm>> -> memref<20480x128xf32, #tpu.memory_space<hbm>>
      tpu.enqueue_indirect_dma source(%dma_start3A_31 : memref<20480x128xf32, #tpu.memory_space<hbm>>) target(%dma_start3A_25 : memref<128x128xf32, #tpu.memory_space<vmem>>) offsets(%dma_start3A_28 : memref<128xi32, #tpu.memory_space<vmem>>) semaphore(%arg11 : memref<!tpu.dma_semaphore, #tpu.memory_space<semaphore_mem>>)
      %scan3A_32 = arith.constant 0 : i32
      %scan3A_33 = arith.constant 0 : i32
      %scan3A_34 = arith.constant 20 : i32
      %scan3A_35 = arith.addi %scan3A_33, %scan3A_34 : i32
      %scan3A_36 = arith.constant 1 : i32
      scf.for %scan3A_49 = %scan3A_33 to %scan3A_35 step %scan3A_36  : i32 {
        %mul3A_50 = arith.constant 2 : i32
        %mul3A_51 = arith.muli %mul3A_50, %scan3A_49 : i32
        %add3A_52 = arith.constant 1 : i32
        %add3A_53 = arith.addi %mul3A_51, %add3A_52 : i32
        %dma_wait3A_54 = arith.constant 0 : i32
        %dma_wait3A_55 = arith.constant 0 : i32
        %dma_wait3A_56 = arith.constant 0 : i32
        %dma_wait3A_57 = tpu.memref_slice %arg9[%dma_wait3A_54, %dma_wait3A_55, %dma_wait3A_56] : memref<2x128x128xf32, #tpu.memory_space<vmem>> -> memref<1x128x128xf32, #tpu.memory_space<vmem>>
        %dma_wait3A_58 = tpu.memref_squeeze %dma_wait3A_57 : memref<1x128x128xf32, #tpu.memory_space<vmem>> -> memref<128x128xf32, #tpu.memory_space<vmem>>
        %dma_wait3A_59 = arith.constant 0 : i32
        %dma_wait3A_60 = tpu.memref_slice %arg7[%mul3A_51, %dma_wait3A_59] : memref<40x128xi32, #tpu.memory_space<vmem>> -> memref<1x128xi32, #tpu.memory_space<vmem>>
        %dma_wait3A_61 = tpu.memref_squeeze %dma_wait3A_60 : memref<1x128xi32, #tpu.memory_space<vmem>> -> memref<128xi32, #tpu.memory_space<vmem>>
        %dma_wait3A_62 = arith.constant 0 : i32
        %dma_wait3A_63 = arith.constant 0 : i32
        %dma_wait3A_64 = tpu.memref_slice %arg2[%dma_wait3A_62, %dma_wait3A_63] : memref<20480x128xf32, #tpu.memory_space<hbm>> -> memref<20480x128xf32, #tpu.memory_space<hbm>>
        tpu.wait_indirect_dma semaphore(%arg11 : memref<!tpu.dma_semaphore, #tpu.memory_space<semaphore_mem>>) src(%dma_wait3A_64 : memref<20480x128xf32, #tpu.memory_space<hbm>>) dst(%dma_wait3A_58 : memref<128x128xf32, #tpu.memory_space<vmem>>)
        %dma_start3A_65 = arith.constant 0 : i32
        %dma_start3A_66 = arith.constant 0 : i32
        %dma_start3A_67 = arith.constant 0 : i32
        %dma_start3A_68 = tpu.memref_slice %arg9[%dma_start3A_65, %dma_start3A_66, %dma_start3A_67] : memref<2x128x128xf32, #tpu.memory_space<vmem>> -> memref<1x128x128xf32, #tpu.memory_space<vmem>>
        %dma_start3A_69 = tpu.memref_squeeze %dma_start3A_68 : memref<1x128x128xf32, #tpu.memory_space<vmem>> -> memref<128x128xf32, #tpu.memory_space<vmem>>
        %dma_start3A_70 = arith.constant 0 : i32
        %dma_start3A_71 = tpu.memref_slice %arg8[%mul3A_51, %dma_start3A_70] : memref<40x128xi32, #tpu.memory_space<vmem>> -> memref<1x128xi32, #tpu.memory_space<vmem>>
        %dma_start3A_72 = tpu.memref_squeeze %dma_start3A_71 : memref<1x128xi32, #tpu.memory_space<vmem>> -> memref<128xi32, #tpu.memory_space<vmem>>
        %dma_start3A_73 = arith.constant 0 : i32
        %dma_start3A_74 = arith.constant 0 : i32
        %dma_start3A_75 = tpu.memref_slice %arg10[%dma_start3A_73, %dma_start3A_74] : memref<10240x128xf32, #tpu.memory_space<vmem_shared>> -> memref<10240x128xf32, #tpu.memory_space<vmem_shared>>
        tpu.enqueue_indirect_dma source(%dma_start3A_69 : memref<128x128xf32, #tpu.memory_space<vmem>>) target(%dma_start3A_75 : memref<10240x128xf32, #tpu.memory_space<vmem_shared>>) offsets(%dma_start3A_72 : memref<128xi32, #tpu.memory_space<vmem>>) semaphore(%arg13 : memref<!tpu.dma_semaphore, #tpu.memory_space<semaphore_mem>>) {add = true}
        %gt3A = arith.constant 0 : i32
        %gt3A_76 = arith.cmpi sgt, %scan3A_49, %gt3A : i32
        %convert_element_type3A = arith.extui %gt3A_76 : i1 to i32
        %cond3A = arith.constant 0 : i32
        %cond3A_77 = arith.cmpi ne, %convert_element_type3A, %cond3A : i32
        scf.if %cond3A_77 {
          %sub3A = arith.constant 1 : i32
          %sub3A_126 = arith.subi %mul3A_51, %sub3A : i32
          %dma_wait3A_127 = arith.constant 1 : i32
          %dma_wait3A_128 = arith.constant 0 : i32
          %dma_wait3A_129 = arith.constant 0 : i32
          %dma_wait3A_130 = tpu.memref_slice %arg9[%dma_wait3A_127, %dma_wait3A_128, %dma_wait3A_129] : memref<2x128x128xf32, #tpu.memory_space<vmem>> -> memref<1x128x128xf32, #tpu.memory_space<vmem>>
          %dma_wait3A_131 = tpu.memref_squeeze %dma_wait3A_130 : memref<1x128x128xf32, #tpu.memory_space<vmem>> -> memref<128x128xf32, #tpu.memory_space<vmem>>
          %dma_wait3A_132 = arith.constant 0 : i32
          %dma_wait3A_133 = tpu.memref_slice %arg8[%sub3A_126, %dma_wait3A_132] : memref<40x128xi32, #tpu.memory_space<vmem>> -> memref<1x128xi32, #tpu.memory_space<vmem>>
          %dma_wait3A_134 = tpu.memref_squeeze %dma_wait3A_133 : memref<1x128xi32, #tpu.memory_space<vmem>> -> memref<128xi32, #tpu.memory_space<vmem>>
          %dma_wait3A_135 = arith.constant 0 : i32
          %dma_wait3A_136 = arith.constant 0 : i32
          %dma_wait3A_137 = tpu.memref_slice %arg10[%dma_wait3A_135, %dma_wait3A_136] : memref<10240x128xf32, #tpu.memory_space<vmem_shared>> -> memref<10240x128xf32, #tpu.memory_space<vmem_shared>>
          tpu.wait_indirect_dma semaphore(%arg14 : memref<!tpu.dma_semaphore, #tpu.memory_space<semaphore_mem>>) src(%dma_wait3A_131 : memref<128x128xf32, #tpu.memory_space<vmem>>) dst(%dma_wait3A_137 : memref<10240x128xf32, #tpu.memory_space<vmem_shared>>)
        } else {
        }
        %dma_start3A_78 = arith.constant 1 : i32
        %dma_start3A_79 = arith.constant 0 : i32
        %dma_start3A_80 = arith.constant 0 : i32
        %dma_start3A_81 = tpu.memref_slice %arg9[%dma_start3A_78, %dma_start3A_79, %dma_start3A_80] : memref<2x128x128xf32, #tpu.memory_space<vmem>> -> memref<1x128x128xf32, #tpu.memory_space<vmem>>
        %dma_start3A_82 = tpu.memref_squeeze %dma_start3A_81 : memref<1x128x128xf32, #tpu.memory_space<vmem>> -> memref<128x128xf32, #tpu.memory_space<vmem>>
        %dma_start3A_83 = arith.constant 0 : i32
        %dma_start3A_84 = tpu.memref_slice %arg7[%add3A_53, %dma_start3A_83] : memref<40x128xi32, #tpu.memory_space<vmem>> -> memref<1x128xi32, #tpu.memory_space<vmem>>
        %dma_start3A_85 = tpu.memref_squeeze %dma_start3A_84 : memref<1x128xi32, #tpu.memory_space<vmem>> -> memref<128xi32, #tpu.memory_space<vmem>>
        %dma_start3A_86 = arith.constant 0 : i32
        %dma_start3A_87 = arith.constant 0 : i32
        %dma_start3A_88 = tpu.memref_slice %arg2[%dma_start3A_86, %dma_start3A_87] : memref<20480x128xf32, #tpu.memory_space<hbm>> -> memref<20480x128xf32, #tpu.memory_space<hbm>>
        tpu.enqueue_indirect_dma source(%dma_start3A_88 : memref<20480x128xf32, #tpu.memory_space<hbm>>) target(%dma_start3A_82 : memref<128x128xf32, #tpu.memory_space<vmem>>) offsets(%dma_start3A_85 : memref<128xi32, #tpu.memory_space<vmem>>) semaphore(%arg12 : memref<!tpu.dma_semaphore, #tpu.memory_space<semaphore_mem>>)
        %dma_wait3A_89 = arith.constant 1 : i32
        %dma_wait3A_90 = arith.constant 0 : i32
        %dma_wait3A_91 = arith.constant 0 : i32
        %dma_wait3A_92 = tpu.memref_slice %arg9[%dma_wait3A_89, %dma_wait3A_90, %dma_wait3A_91] : memref<2x128x128xf32, #tpu.memory_space<vmem>> -> memref<1x128x128xf32, #tpu.memory_space<vmem>>
        %dma_wait3A_93 = tpu.memref_squeeze %dma_wait3A_92 : memref<1x128x128xf32, #tpu.memory_space<vmem>> -> memref<128x128xf32, #tpu.memory_space<vmem>>
        %dma_wait3A_94 = arith.constant 0 : i32
        %dma_wait3A_95 = tpu.memref_slice %arg7[%add3A_53, %dma_wait3A_94] : memref<40x128xi32, #tpu.memory_space<vmem>> -> memref<1x128xi32, #tpu.memory_space<vmem>>
        %dma_wait3A_96 = tpu.memref_squeeze %dma_wait3A_95 : memref<1x128xi32, #tpu.memory_space<vmem>> -> memref<128xi32, #tpu.memory_space<vmem>>
        %dma_wait3A_97 = arith.constant 0 : i32
        %dma_wait3A_98 = arith.constant 0 : i32
        %dma_wait3A_99 = tpu.memref_slice %arg2[%dma_wait3A_97, %dma_wait3A_98] : memref<20480x128xf32, #tpu.memory_space<hbm>> -> memref<20480x128xf32, #tpu.memory_space<hbm>>
        tpu.wait_indirect_dma semaphore(%arg12 : memref<!tpu.dma_semaphore, #tpu.memory_space<semaphore_mem>>) src(%dma_wait3A_99 : memref<20480x128xf32, #tpu.memory_space<hbm>>) dst(%dma_wait3A_93 : memref<128x128xf32, #tpu.memory_space<vmem>>)
        %dma_start3A_100 = arith.constant 1 : i32
        %dma_start3A_101 = arith.constant 0 : i32
        %dma_start3A_102 = arith.constant 0 : i32
        %dma_start3A_103 = tpu.memref_slice %arg9[%dma_start3A_100, %dma_start3A_101, %dma_start3A_102] : memref<2x128x128xf32, #tpu.memory_space<vmem>> -> memref<1x128x128xf32, #tpu.memory_space<vmem>>
        %dma_start3A_104 = tpu.memref_squeeze %dma_start3A_103 : memref<1x128x128xf32, #tpu.memory_space<vmem>> -> memref<128x128xf32, #tpu.memory_space<vmem>>
        %dma_start3A_105 = arith.constant 0 : i32
        %dma_start3A_106 = tpu.memref_slice %arg8[%add3A_53, %dma_start3A_105] : memref<40x128xi32, #tpu.memory_space<vmem>> -> memref<1x128xi32, #tpu.memory_space<vmem>>
        %dma_start3A_107 = tpu.memref_squeeze %dma_start3A_106 : memref<1x128xi32, #tpu.memory_space<vmem>> -> memref<128xi32, #tpu.memory_space<vmem>>
        %dma_start3A_108 = arith.constant 0 : i32
        %dma_start3A_109 = arith.constant 0 : i32
        %dma_start3A_110 = tpu.memref_slice %arg10[%dma_start3A_108, %dma_start3A_109] : memref<10240x128xf32, #tpu.memory_space<vmem_shared>> -> memref<10240x128xf32, #tpu.memory_space<vmem_shared>>
        tpu.enqueue_indirect_dma source(%dma_start3A_104 : memref<128x128xf32, #tpu.memory_space<vmem>>) target(%dma_start3A_110 : memref<10240x128xf32, #tpu.memory_space<vmem_shared>>) offsets(%dma_start3A_107 : memref<128xi32, #tpu.memory_space<vmem>>) semaphore(%arg14 : memref<!tpu.dma_semaphore, #tpu.memory_space<semaphore_mem>>) {add = true}
        %dma_wait3A_111 = arith.constant 0 : i32
        %dma_wait3A_112 = arith.constant 0 : i32
        %dma_wait3A_113 = arith.constant 0 : i32
        %dma_wait3A_114 = tpu.memref_slice %arg9[%dma_wait3A_111, %dma_wait3A_112, %dma_wait3A_113] : memref<2x128x128xf32, #tpu.memory_space<vmem>> -> memref<1x128x128xf32, #tpu.memory_space<vmem>>
        %dma_wait3A_115 = tpu.memref_squeeze %dma_wait3A_114 : memref<1x128x128xf32, #tpu.memory_space<vmem>> -> memref<128x128xf32, #tpu.memory_space<vmem>>
        %dma_wait3A_116 = arith.constant 0 : i32
        %dma_wait3A_117 = tpu.memref_slice %arg8[%mul3A_51, %dma_wait3A_116] : memref<40x128xi32, #tpu.memory_space<vmem>> -> memref<1x128xi32, #tpu.memory_space<vmem>>
        %dma_wait3A_118 = tpu.memref_squeeze %dma_wait3A_117 : memref<1x128xi32, #tpu.memory_space<vmem>> -> memref<128xi32, #tpu.memory_space<vmem>>
        %dma_wait3A_119 = arith.constant 0 : i32
        %dma_wait3A_120 = arith.constant 0 : i32
        %dma_wait3A_121 = tpu.memref_slice %arg10[%dma_wait3A_119, %dma_wait3A_120] : memref<10240x128xf32, #tpu.memory_space<vmem_shared>> -> memref<10240x128xf32, #tpu.memory_space<vmem_shared>>
        tpu.wait_indirect_dma semaphore(%arg13 : memref<!tpu.dma_semaphore, #tpu.memory_space<semaphore_mem>>) src(%dma_wait3A_115 : memref<128x128xf32, #tpu.memory_space<vmem>>) dst(%dma_wait3A_121 : memref<10240x128xf32, #tpu.memory_space<vmem_shared>>)
        %lt3A = arith.constant 19 : i32
        %lt3A_122 = arith.cmpi slt, %scan3A_49, %lt3A : i32
        %convert_element_type3A_123 = arith.extui %lt3A_122 : i1 to i32
        %cond3A_124 = arith.constant 0 : i32
        %cond3A_125 = arith.cmpi ne, %convert_element_type3A_123, %cond3A_124 : i32
        scf.if %cond3A_125 {
          %add3A_126 = arith.constant 2 : i32
          %add3A_127 = arith.addi %mul3A_51, %add3A_126 : i32
          %dma_start3A_128 = arith.constant 0 : i32
          %dma_start3A_129 = arith.constant 0 : i32
          %dma_start3A_130 = arith.constant 0 : i32
          %dma_start3A_131 = tpu.memref_slice %arg9[%dma_start3A_128, %dma_start3A_129, %dma_start3A_130] : memref<2x128x128xf32, #tpu.memory_space<vmem>> -> memref<1x128x128xf32, #tpu.memory_space<vmem>>
          %dma_start3A_132 = tpu.memref_squeeze %dma_start3A_131 : memref<1x128x128xf32, #tpu.memory_space<vmem>> -> memref<128x128xf32, #tpu.memory_space<vmem>>
          %dma_start3A_133 = arith.constant 0 : i32
          %dma_start3A_134 = tpu.memref_slice %arg7[%add3A_127, %dma_start3A_133] : memref<40x128xi32, #tpu.memory_space<vmem>> -> memref<1x128xi32, #tpu.memory_space<vmem>>
          %dma_start3A_135 = tpu.memref_squeeze %dma_start3A_134 : memref<1x128xi32, #tpu.memory_space<vmem>> -> memref<128xi32, #tpu.memory_space<vmem>>
          %dma_start3A_136 = arith.constant 0 : i32
          %dma_start3A_137 = arith.constant 0 : i32
          %dma_start3A_138 = tpu.memref_slice %arg2[%dma_start3A_136, %dma_start3A_137] : memref<20480x128xf32, #tpu.memory_space<hbm>> -> memref<20480x128xf32, #tpu.memory_space<hbm>>
          tpu.enqueue_indirect_dma source(%dma_start3A_138 : memref<20480x128xf32, #tpu.memory_space<hbm>>) target(%dma_start3A_132 : memref<128x128xf32, #tpu.memory_space<vmem>>) offsets(%dma_start3A_135 : memref<128xi32, #tpu.memory_space<vmem>>) semaphore(%arg11 : memref<!tpu.dma_semaphore, #tpu.memory_space<semaphore_mem>>)
        } else {
        }
      }
      %scan3A_37 = arith.constant 20 : i32
      %dma_wait3A = arith.constant 1 : i32
      %dma_wait3A_38 = arith.constant 39 : i32
      %dma_wait3A_39 = arith.constant 0 : i32
      %dma_wait3A_40 = arith.constant 0 : i32
      %dma_wait3A_41 = tpu.memref_slice %arg9[%dma_wait3A, %dma_wait3A_39, %dma_wait3A_40] : memref<2x128x128xf32, #tpu.memory_space<vmem>> -> memref<1x128x128xf32, #tpu.memory_space<vmem>>
      %dma_wait3A_42 = tpu.memref_squeeze %dma_wait3A_41 : memref<1x128x128xf32, #tpu.memory_space<vmem>> -> memref<128x128xf32, #tpu.memory_space<vmem>>
      %dma_wait3A_43 = arith.constant 0 : i32
      %dma_wait3A_44 = tpu.memref_slice %arg8[%dma_wait3A_38, %dma_wait3A_43] : memref<40x128xi32, #tpu.memory_space<vmem>> -> memref<1x128xi32, #tpu.memory_space<vmem>>
      %dma_wait3A_45 = tpu.memref_squeeze %dma_wait3A_44 : memref<1x128xi32, #tpu.memory_space<vmem>> -> memref<128xi32, #tpu.memory_space<vmem>>
      %dma_wait3A_46 = arith.constant 0 : i32
      %dma_wait3A_47 = arith.constant 0 : i32
      %dma_wait3A_48 = tpu.memref_slice %arg10[%dma_wait3A_46, %dma_wait3A_47] : memref<10240x128xf32, #tpu.memory_space<vmem_shared>> -> memref<10240x128xf32, #tpu.memory_space<vmem_shared>>
      tpu.wait_indirect_dma semaphore(%arg14 : memref<!tpu.dma_semaphore, #tpu.memory_space<semaphore_mem>>) src(%dma_wait3A_42 : memref<128x128xf32, #tpu.memory_space<vmem>>) dst(%dma_wait3A_48 : memref<10240x128xf32, #tpu.memory_space<vmem_shared>>)
    }
    %scan3A_9 = arith.constant 4 : i32
    %barrier3A_10 = arith.constant 0 : index
    tpu.barrier barrier_id(%barrier3A_10)
    %mul3A_11 = arith.constant 640 : i32
    %mul3A_12 = arith.muli %arg1, %mul3A_11 : i32
    %mul3A_13 = arith.constant 640 : i32
    %mul3A_14 = arith.muli %arg1, %mul3A_13 : i32
    "tpu.region"() ({
      %run_scoped3A = tpu.sem_alloc : memref<!tpu.dma_semaphore, #tpu.memory_space<semaphore_mem>>
      %dma_start3A = arith.constant 0 : i32
      %dma_start3A_15 = tpu.memref_slice %arg6[%arg0, %mul3A_14, %dma_start3A] : memref<2x10240x128xf32, #tpu.memory_space<hbm>> -> memref<1x640x128xf32, #tpu.memory_space<hbm>>
      %dma_start3A_16 = tpu.memref_squeeze %dma_start3A_15 : memref<1x640x128xf32, #tpu.memory_space<hbm>> -> memref<640x128xf32, #tpu.memory_space<hbm>>
      %dma_start3A_17 = arith.constant 0 : i32
      %dma_start3A_18 = tpu.memref_slice %arg10[%mul3A_12, %dma_start3A_17] : memref<10240x128xf32, #tpu.memory_space<vmem_shared>> -> memref<640x128xf32, #tpu.memory_space<vmem_shared>>
      tpu.enqueue_dma source(%dma_start3A_18 : memref<640x128xf32, #tpu.memory_space<vmem_shared>>) target(%dma_start3A_16 : memref<640x128xf32, #tpu.memory_space<hbm>>) target_semaphore(%run_scoped3A : memref<!tpu.dma_semaphore, #tpu.memory_space<semaphore_mem>>)
      %dma_wait3A = arith.constant 0 : i32
      %dma_wait3A_19 = tpu.memref_slice %arg6[%arg0, %mul3A_14, %dma_wait3A] : memref<2x10240x128xf32, #tpu.memory_space<hbm>> -> memref<1x640x128xf32, #tpu.memory_space<hbm>>
      %dma_wait3A_20 = tpu.memref_squeeze %dma_wait3A_19 : memref<1x640x128xf32, #tpu.memory_space<hbm>> -> memref<640x128xf32, #tpu.memory_space<hbm>>
      %dma_wait3A_21 = arith.constant 0 : i32
      %dma_wait3A_22 = tpu.memref_slice %arg10[%mul3A_12, %dma_wait3A_21] : memref<10240x128xf32, #tpu.memory_space<vmem_shared>> -> memref<640x128xf32, #tpu.memory_space<vmem_shared>>
      tpu.wait_dma2 semaphore(%run_scoped3A : memref<!tpu.dma_semaphore, #tpu.memory_space<semaphore_mem>>) src(%dma_wait3A_22 : memref<640x128xf32, #tpu.memory_space<vmem_shared>>) dst(%dma_wait3A_20 : memref<640x128xf32, #tpu.memory_space<hbm>>)
      tpu.yield
    }) : () -> ()
    return
  }
}

#map = affine_map<(d0, d1) -> (0, 0)>
#map1 = affine_map<(d0, d1) -> (0, 0, 0)>
module attributes {stable_mosaic.version = 14 : i64} {
  func.func @_agg2_kernel(%arg0: i32, %arg1: i32, %arg2: memref<10240x128xf32, #tpu.memory_space<hbm>>, %arg3: memref<2x2560x128xi32, #tpu.memory_space<hbm>>, %arg4: memref<2560x128xi32, #tpu.memory_space<hbm>>, %arg5: memref<10240x128xf32, #tpu.memory_space<hbm>>, %arg6: memref<2x10240x128xf32, #tpu.memory_space<hbm>>, %arg7: memref<40x128xi32, #tpu.memory_space<vmem>>, %arg8: memref<40x128xi32, #tpu.memory_space<vmem>>, %arg9: memref<2x128x128xf32, #tpu.memory_space<vmem>>, %arg10: memref<10240x128xf32, #tpu.memory_space<vmem_shared>>, %arg11: memref<!tpu.dma_semaphore, #tpu.memory_space<semaphore_mem>>, %arg12: memref<!tpu.dma_semaphore, #tpu.memory_space<semaphore_mem>>, %arg13: memref<!tpu.dma_semaphore, #tpu.memory_space<semaphore_mem>>, %arg14: memref<!tpu.dma_semaphore, #tpu.memory_space<semaphore_mem>>) attributes {dimension_semantics = [#tpu.dimension_semantics<core_parallel>, #tpu.dimension_semantics<subcore_parallel>], iteration_bounds = array<i64: 2, 16>, scalar_prefetch = 0 : i64, scratch_operands = 8 : i64, tpu.core_type = #tpu.core_type<sc_vector_subcore>, window_params = [{transform_indices = #map}, {transform_indices = #map1}, {transform_indices = #map}, {transform_indices = #map}, {transform_indices = #map1}]} {
    %mul3A = arith.constant 16 : i32
    %mul3A_0 = arith.muli %arg0, %mul3A : i32
    %add3A = arith.addi %mul3A_0, %arg1 : i32
    %mul3A_1 = arith.constant 640 : i32
    %mul3A_2 = arith.muli %arg1, %mul3A_1 : i32
    %mul3A_3 = arith.constant 640 : i32
    %mul3A_4 = arith.muli %arg1, %mul3A_3 : i32
    "tpu.region"() ({
      %run_scoped3A = tpu.sem_alloc : memref<!tpu.dma_semaphore, #tpu.memory_space<semaphore_mem>>
      %dma_start3A = arith.constant 0 : i32
      %dma_start3A_17 = tpu.memref_slice %arg10[%mul3A_4, %dma_start3A] : memref<10240x128xf32, #tpu.memory_space<vmem_shared>> -> memref<640x128xf32, #tpu.memory_space<vmem_shared>>
      %dma_start3A_18 = arith.constant 0 : i32
      %dma_start3A_19 = tpu.memref_slice %arg5[%mul3A_2, %dma_start3A_18] : memref<10240x128xf32, #tpu.memory_space<hbm>> -> memref<640x128xf32, #tpu.memory_space<hbm>>
      tpu.enqueue_dma source(%dma_start3A_19 : memref<640x128xf32, #tpu.memory_space<hbm>>) target(%dma_start3A_17 : memref<640x128xf32, #tpu.memory_space<vmem_shared>>) target_semaphore(%run_scoped3A : memref<!tpu.dma_semaphore, #tpu.memory_space<semaphore_mem>>)
      %dma_wait3A = arith.constant 0 : i32
      %dma_wait3A_20 = tpu.memref_slice %arg10[%mul3A_4, %dma_wait3A] : memref<10240x128xf32, #tpu.memory_space<vmem_shared>> -> memref<640x128xf32, #tpu.memory_space<vmem_shared>>
      %dma_wait3A_21 = arith.constant 0 : i32
      %dma_wait3A_22 = tpu.memref_slice %arg5[%mul3A_2, %dma_wait3A_21] : memref<10240x128xf32, #tpu.memory_space<hbm>> -> memref<640x128xf32, #tpu.memory_space<hbm>>
      tpu.wait_dma2 semaphore(%run_scoped3A : memref<!tpu.dma_semaphore, #tpu.memory_space<semaphore_mem>>) src(%dma_wait3A_22 : memref<640x128xf32, #tpu.memory_space<hbm>>) dst(%dma_wait3A_20 : memref<640x128xf32, #tpu.memory_space<vmem_shared>>)
      tpu.yield
    }) : () -> ()
    %barrier3A = arith.constant 0 : index
    tpu.barrier barrier_id(%barrier3A)
    %mul3A_5 = arith.constant 80 : i32
    %mul3A_6 = arith.muli %add3A, %mul3A_5 : i32
    %scan3A = arith.constant 0 : i32
    %scan3A_7 = arith.constant 0 : i32
    %scan3A_8 = arith.constant 2 : i32
    %scan3A_9 = arith.addi %scan3A_7, %scan3A_8 : i32
    %scan3A_10 = arith.constant 1 : i32
    scf.for %scan3A_17 = %scan3A_7 to %scan3A_9 step %scan3A_10  : i32 {
      %mul3A_18 = arith.constant 40 : i32
      %mul3A_19 = arith.muli %scan3A_17, %mul3A_18 : i32
      %add3A_20 = arith.addi %mul3A_6, %mul3A_19 : i32
      %run_scoped3A = arith.constant 0 : i32
      "tpu.region"() ({
        %run_scoped3A_52 = tpu.sem_alloc : memref<!tpu.dma_semaphore, #tpu.memory_space<semaphore_mem>>
        %dma_start3A_53 = arith.constant 0 : i32
        %dma_start3A_54 = tpu.memref_slice %arg3[%run_scoped3A, %add3A_20, %dma_start3A_53] : memref<2x2560x128xi32, #tpu.memory_space<hbm>> -> memref<1x40x128xi32, #tpu.memory_space<hbm>>
        %dma_start3A_55 = tpu.memref_squeeze %dma_start3A_54 : memref<1x40x128xi32, #tpu.memory_space<hbm>> -> memref<40x128xi32, #tpu.memory_space<hbm>>
        %dma_start3A_56 = arith.constant 0 : i32
        %dma_start3A_57 = tpu.memref_slice %arg3[%run_scoped3A, %add3A_20, %dma_start3A_56] : memref<2x2560x128xi32, #tpu.memory_space<hbm>> -> memref<1x40x128xi32, #tpu.memory_space<hbm>>
        %dma_start3A_58 = tpu.memref_squeeze %dma_start3A_57 : memref<1x40x128xi32, #tpu.memory_space<hbm>> -> memref<40x128xi32, #tpu.memory_space<hbm>>
        tpu.enqueue_dma source(%dma_start3A_58 : memref<40x128xi32, #tpu.memory_space<hbm>>) target(%arg7 : memref<40x128xi32, #tpu.memory_space<vmem>>) target_semaphore(%run_scoped3A_52 : memref<!tpu.dma_semaphore, #tpu.memory_space<semaphore_mem>>)
        %dma_wait3A_59 = arith.constant 0 : i32
        %dma_wait3A_60 = tpu.memref_slice %arg3[%run_scoped3A, %add3A_20, %dma_wait3A_59] : memref<2x2560x128xi32, #tpu.memory_space<hbm>> -> memref<1x40x128xi32, #tpu.memory_space<hbm>>
        %dma_wait3A_61 = tpu.memref_squeeze %dma_wait3A_60 : memref<1x40x128xi32, #tpu.memory_space<hbm>> -> memref<40x128xi32, #tpu.memory_space<hbm>>
        %dma_wait3A_62 = arith.constant 0 : i32
        %dma_wait3A_63 = tpu.memref_slice %arg3[%run_scoped3A, %add3A_20, %dma_wait3A_62] : memref<2x2560x128xi32, #tpu.memory_space<hbm>> -> memref<1x40x128xi32, #tpu.memory_space<hbm>>
        %dma_wait3A_64 = tpu.memref_squeeze %dma_wait3A_63 : memref<1x40x128xi32, #tpu.memory_space<hbm>> -> memref<40x128xi32, #tpu.memory_space<hbm>>
        tpu.wait_dma2 semaphore(%run_scoped3A_52 : memref<!tpu.dma_semaphore, #tpu.memory_space<semaphore_mem>>) src(%dma_wait3A_64 : memref<40x128xi32, #tpu.memory_space<hbm>>) dst(%arg7 : memref<40x128xi32, #tpu.memory_space<vmem>>)
        tpu.yield
      }) : () -> ()
      %mul3A_21 = arith.constant 40 : i32
      %mul3A_22 = arith.muli %scan3A_17, %mul3A_21 : i32
      %add3A_23 = arith.addi %mul3A_6, %mul3A_22 : i32
      "tpu.region"() ({
        %run_scoped3A_52 = tpu.sem_alloc : memref<!tpu.dma_semaphore, #tpu.memory_space<semaphore_mem>>
        %dma_start3A_53 = arith.constant 0 : i32
        %dma_start3A_54 = tpu.memref_slice %arg4[%add3A_23, %dma_start3A_53] : memref<2560x128xi32, #tpu.memory_space<hbm>> -> memref<40x128xi32, #tpu.memory_space<hbm>>
        %dma_start3A_55 = arith.constant 0 : i32
        %dma_start3A_56 = tpu.memref_slice %arg4[%add3A_23, %dma_start3A_55] : memref<2560x128xi32, #tpu.memory_space<hbm>> -> memref<40x128xi32, #tpu.memory_space<hbm>>
        tpu.enqueue_dma source(%dma_start3A_56 : memref<40x128xi32, #tpu.memory_space<hbm>>) target(%arg8 : memref<40x128xi32, #tpu.memory_space<vmem>>) target_semaphore(%run_scoped3A_52 : memref<!tpu.dma_semaphore, #tpu.memory_space<semaphore_mem>>)
        %dma_wait3A_57 = arith.constant 0 : i32
        %dma_wait3A_58 = tpu.memref_slice %arg4[%add3A_23, %dma_wait3A_57] : memref<2560x128xi32, #tpu.memory_space<hbm>> -> memref<40x128xi32, #tpu.memory_space<hbm>>
        %dma_wait3A_59 = arith.constant 0 : i32
        %dma_wait3A_60 = tpu.memref_slice %arg4[%add3A_23, %dma_wait3A_59] : memref<2560x128xi32, #tpu.memory_space<hbm>> -> memref<40x128xi32, #tpu.memory_space<hbm>>
        tpu.wait_dma2 semaphore(%run_scoped3A_52 : memref<!tpu.dma_semaphore, #tpu.memory_space<semaphore_mem>>) src(%dma_wait3A_60 : memref<40x128xi32, #tpu.memory_space<hbm>>) dst(%arg8 : memref<40x128xi32, #tpu.memory_space<vmem>>)
        tpu.yield
      }) : () -> ()
      %dma_start3A = arith.constant 0 : i32
      %dma_start3A_24 = arith.constant 0 : i32
      %dma_start3A_25 = arith.constant 0 : i32
      %dma_start3A_26 = arith.constant 0 : i32
      %dma_start3A_27 = tpu.memref_slice %arg9[%dma_start3A_24, %dma_start3A_25, %dma_start3A_26] : memref<2x128x128xf32, #tpu.memory_space<vmem>> -> memref<1x128x128xf32, #tpu.memory_space<vmem>>
      %dma_start3A_28 = tpu.memref_squeeze %dma_start3A_27 : memref<1x128x128xf32, #tpu.memory_space<vmem>> -> memref<128x128xf32, #tpu.memory_space<vmem>>
      %dma_start3A_29 = arith.constant 0 : i32
      %dma_start3A_30 = tpu.memref_slice %arg7[%dma_start3A, %dma_start3A_29] : memref<40x128xi32, #tpu.memory_space<vmem>> -> memref<1x128xi32, #tpu.memory_space<vmem>>
      %dma_start3A_31 = tpu.memref_squeeze %dma_start3A_30 : memref<1x128xi32, #tpu.memory_space<vmem>> -> memref<128xi32, #tpu.memory_space<vmem>>
      %dma_start3A_32 = arith.constant 0 : i32
      %dma_start3A_33 = arith.constant 0 : i32
      %dma_start3A_34 = tpu.memref_slice %arg2[%dma_start3A_32, %dma_start3A_33] : memref<10240x128xf32, #tpu.memory_space<hbm>> -> memref<10240x128xf32, #tpu.memory_space<hbm>>
      tpu.enqueue_indirect_dma source(%dma_start3A_34 : memref<10240x128xf32, #tpu.memory_space<hbm>>) target(%dma_start3A_28 : memref<128x128xf32, #tpu.memory_space<vmem>>) offsets(%dma_start3A_31 : memref<128xi32, #tpu.memory_space<vmem>>) semaphore(%arg11 : memref<!tpu.dma_semaphore, #tpu.memory_space<semaphore_mem>>)
      %scan3A_35 = arith.constant 0 : i32
      %scan3A_36 = arith.constant 0 : i32
      %scan3A_37 = arith.constant 20 : i32
      %scan3A_38 = arith.addi %scan3A_36, %scan3A_37 : i32
      %scan3A_39 = arith.constant 1 : i32
      scf.for %scan3A_52 = %scan3A_36 to %scan3A_38 step %scan3A_39  : i32 {
        %mul3A_53 = arith.constant 2 : i32
        %mul3A_54 = arith.muli %mul3A_53, %scan3A_52 : i32
        %add3A_55 = arith.constant 1 : i32
        %add3A_56 = arith.addi %mul3A_54, %add3A_55 : i32
        %dma_wait3A_57 = arith.constant 0 : i32
        %dma_wait3A_58 = arith.constant 0 : i32
        %dma_wait3A_59 = arith.constant 0 : i32
        %dma_wait3A_60 = tpu.memref_slice %arg9[%dma_wait3A_57, %dma_wait3A_58, %dma_wait3A_59] : memref<2x128x128xf32, #tpu.memory_space<vmem>> -> memref<1x128x128xf32, #tpu.memory_space<vmem>>
        %dma_wait3A_61 = tpu.memref_squeeze %dma_wait3A_60 : memref<1x128x128xf32, #tpu.memory_space<vmem>> -> memref<128x128xf32, #tpu.memory_space<vmem>>
        %dma_wait3A_62 = arith.constant 0 : i32
        %dma_wait3A_63 = tpu.memref_slice %arg7[%mul3A_54, %dma_wait3A_62] : memref<40x128xi32, #tpu.memory_space<vmem>> -> memref<1x128xi32, #tpu.memory_space<vmem>>
        %dma_wait3A_64 = tpu.memref_squeeze %dma_wait3A_63 : memref<1x128xi32, #tpu.memory_space<vmem>> -> memref<128xi32, #tpu.memory_space<vmem>>
        %dma_wait3A_65 = arith.constant 0 : i32
        %dma_wait3A_66 = arith.constant 0 : i32
        %dma_wait3A_67 = tpu.memref_slice %arg2[%dma_wait3A_65, %dma_wait3A_66] : memref<10240x128xf32, #tpu.memory_space<hbm>> -> memref<10240x128xf32, #tpu.memory_space<hbm>>
        tpu.wait_indirect_dma semaphore(%arg11 : memref<!tpu.dma_semaphore, #tpu.memory_space<semaphore_mem>>) src(%dma_wait3A_67 : memref<10240x128xf32, #tpu.memory_space<hbm>>) dst(%dma_wait3A_61 : memref<128x128xf32, #tpu.memory_space<vmem>>)
        %dma_start3A_68 = arith.constant 0 : i32
        %dma_start3A_69 = arith.constant 0 : i32
        %dma_start3A_70 = arith.constant 0 : i32
        %dma_start3A_71 = tpu.memref_slice %arg9[%dma_start3A_68, %dma_start3A_69, %dma_start3A_70] : memref<2x128x128xf32, #tpu.memory_space<vmem>> -> memref<1x128x128xf32, #tpu.memory_space<vmem>>
        %dma_start3A_72 = tpu.memref_squeeze %dma_start3A_71 : memref<1x128x128xf32, #tpu.memory_space<vmem>> -> memref<128x128xf32, #tpu.memory_space<vmem>>
        %dma_start3A_73 = arith.constant 0 : i32
        %dma_start3A_74 = tpu.memref_slice %arg8[%mul3A_54, %dma_start3A_73] : memref<40x128xi32, #tpu.memory_space<vmem>> -> memref<1x128xi32, #tpu.memory_space<vmem>>
        %dma_start3A_75 = tpu.memref_squeeze %dma_start3A_74 : memref<1x128xi32, #tpu.memory_space<vmem>> -> memref<128xi32, #tpu.memory_space<vmem>>
        %dma_start3A_76 = arith.constant 0 : i32
        %dma_start3A_77 = arith.constant 0 : i32
        %dma_start3A_78 = tpu.memref_slice %arg10[%dma_start3A_76, %dma_start3A_77] : memref<10240x128xf32, #tpu.memory_space<vmem_shared>> -> memref<10240x128xf32, #tpu.memory_space<vmem_shared>>
        tpu.enqueue_indirect_dma source(%dma_start3A_72 : memref<128x128xf32, #tpu.memory_space<vmem>>) target(%dma_start3A_78 : memref<10240x128xf32, #tpu.memory_space<vmem_shared>>) offsets(%dma_start3A_75 : memref<128xi32, #tpu.memory_space<vmem>>) semaphore(%arg13 : memref<!tpu.dma_semaphore, #tpu.memory_space<semaphore_mem>>) {add = true}
        %gt3A = arith.constant 0 : i32
        %gt3A_79 = arith.cmpi sgt, %scan3A_52, %gt3A : i32
        %convert_element_type3A = arith.extui %gt3A_79 : i1 to i32
        %cond3A = arith.constant 0 : i32
        %cond3A_80 = arith.cmpi ne, %convert_element_type3A, %cond3A : i32
        scf.if %cond3A_80 {
          %sub3A = arith.constant 1 : i32
          %sub3A_129 = arith.subi %mul3A_54, %sub3A : i32
          %dma_wait3A_130 = arith.constant 1 : i32
          %dma_wait3A_131 = arith.constant 0 : i32
          %dma_wait3A_132 = arith.constant 0 : i32
          %dma_wait3A_133 = tpu.memref_slice %arg9[%dma_wait3A_130, %dma_wait3A_131, %dma_wait3A_132] : memref<2x128x128xf32, #tpu.memory_space<vmem>> -> memref<1x128x128xf32, #tpu.memory_space<vmem>>
          %dma_wait3A_134 = tpu.memref_squeeze %dma_wait3A_133 : memref<1x128x128xf32, #tpu.memory_space<vmem>> -> memref<128x128xf32, #tpu.memory_space<vmem>>
          %dma_wait3A_135 = arith.constant 0 : i32
          %dma_wait3A_136 = tpu.memref_slice %arg8[%sub3A_129, %dma_wait3A_135] : memref<40x128xi32, #tpu.memory_space<vmem>> -> memref<1x128xi32, #tpu.memory_space<vmem>>
          %dma_wait3A_137 = tpu.memref_squeeze %dma_wait3A_136 : memref<1x128xi32, #tpu.memory_space<vmem>> -> memref<128xi32, #tpu.memory_space<vmem>>
          %dma_wait3A_138 = arith.constant 0 : i32
          %dma_wait3A_139 = arith.constant 0 : i32
          %dma_wait3A_140 = tpu.memref_slice %arg10[%dma_wait3A_138, %dma_wait3A_139] : memref<10240x128xf32, #tpu.memory_space<vmem_shared>> -> memref<10240x128xf32, #tpu.memory_space<vmem_shared>>
          tpu.wait_indirect_dma semaphore(%arg14 : memref<!tpu.dma_semaphore, #tpu.memory_space<semaphore_mem>>) src(%dma_wait3A_134 : memref<128x128xf32, #tpu.memory_space<vmem>>) dst(%dma_wait3A_140 : memref<10240x128xf32, #tpu.memory_space<vmem_shared>>)
        } else {
        }
        %dma_start3A_81 = arith.constant 1 : i32
        %dma_start3A_82 = arith.constant 0 : i32
        %dma_start3A_83 = arith.constant 0 : i32
        %dma_start3A_84 = tpu.memref_slice %arg9[%dma_start3A_81, %dma_start3A_82, %dma_start3A_83] : memref<2x128x128xf32, #tpu.memory_space<vmem>> -> memref<1x128x128xf32, #tpu.memory_space<vmem>>
        %dma_start3A_85 = tpu.memref_squeeze %dma_start3A_84 : memref<1x128x128xf32, #tpu.memory_space<vmem>> -> memref<128x128xf32, #tpu.memory_space<vmem>>
        %dma_start3A_86 = arith.constant 0 : i32
        %dma_start3A_87 = tpu.memref_slice %arg7[%add3A_56, %dma_start3A_86] : memref<40x128xi32, #tpu.memory_space<vmem>> -> memref<1x128xi32, #tpu.memory_space<vmem>>
        %dma_start3A_88 = tpu.memref_squeeze %dma_start3A_87 : memref<1x128xi32, #tpu.memory_space<vmem>> -> memref<128xi32, #tpu.memory_space<vmem>>
        %dma_start3A_89 = arith.constant 0 : i32
        %dma_start3A_90 = arith.constant 0 : i32
        %dma_start3A_91 = tpu.memref_slice %arg2[%dma_start3A_89, %dma_start3A_90] : memref<10240x128xf32, #tpu.memory_space<hbm>> -> memref<10240x128xf32, #tpu.memory_space<hbm>>
        tpu.enqueue_indirect_dma source(%dma_start3A_91 : memref<10240x128xf32, #tpu.memory_space<hbm>>) target(%dma_start3A_85 : memref<128x128xf32, #tpu.memory_space<vmem>>) offsets(%dma_start3A_88 : memref<128xi32, #tpu.memory_space<vmem>>) semaphore(%arg12 : memref<!tpu.dma_semaphore, #tpu.memory_space<semaphore_mem>>)
        %dma_wait3A_92 = arith.constant 1 : i32
        %dma_wait3A_93 = arith.constant 0 : i32
        %dma_wait3A_94 = arith.constant 0 : i32
        %dma_wait3A_95 = tpu.memref_slice %arg9[%dma_wait3A_92, %dma_wait3A_93, %dma_wait3A_94] : memref<2x128x128xf32, #tpu.memory_space<vmem>> -> memref<1x128x128xf32, #tpu.memory_space<vmem>>
        %dma_wait3A_96 = tpu.memref_squeeze %dma_wait3A_95 : memref<1x128x128xf32, #tpu.memory_space<vmem>> -> memref<128x128xf32, #tpu.memory_space<vmem>>
        %dma_wait3A_97 = arith.constant 0 : i32
        %dma_wait3A_98 = tpu.memref_slice %arg7[%add3A_56, %dma_wait3A_97] : memref<40x128xi32, #tpu.memory_space<vmem>> -> memref<1x128xi32, #tpu.memory_space<vmem>>
        %dma_wait3A_99 = tpu.memref_squeeze %dma_wait3A_98 : memref<1x128xi32, #tpu.memory_space<vmem>> -> memref<128xi32, #tpu.memory_space<vmem>>
        %dma_wait3A_100 = arith.constant 0 : i32
        %dma_wait3A_101 = arith.constant 0 : i32
        %dma_wait3A_102 = tpu.memref_slice %arg2[%dma_wait3A_100, %dma_wait3A_101] : memref<10240x128xf32, #tpu.memory_space<hbm>> -> memref<10240x128xf32, #tpu.memory_space<hbm>>
        tpu.wait_indirect_dma semaphore(%arg12 : memref<!tpu.dma_semaphore, #tpu.memory_space<semaphore_mem>>) src(%dma_wait3A_102 : memref<10240x128xf32, #tpu.memory_space<hbm>>) dst(%dma_wait3A_96 : memref<128x128xf32, #tpu.memory_space<vmem>>)
        %dma_start3A_103 = arith.constant 1 : i32
        %dma_start3A_104 = arith.constant 0 : i32
        %dma_start3A_105 = arith.constant 0 : i32
        %dma_start3A_106 = tpu.memref_slice %arg9[%dma_start3A_103, %dma_start3A_104, %dma_start3A_105] : memref<2x128x128xf32, #tpu.memory_space<vmem>> -> memref<1x128x128xf32, #tpu.memory_space<vmem>>
        %dma_start3A_107 = tpu.memref_squeeze %dma_start3A_106 : memref<1x128x128xf32, #tpu.memory_space<vmem>> -> memref<128x128xf32, #tpu.memory_space<vmem>>
        %dma_start3A_108 = arith.constant 0 : i32
        %dma_start3A_109 = tpu.memref_slice %arg8[%add3A_56, %dma_start3A_108] : memref<40x128xi32, #tpu.memory_space<vmem>> -> memref<1x128xi32, #tpu.memory_space<vmem>>
        %dma_start3A_110 = tpu.memref_squeeze %dma_start3A_109 : memref<1x128xi32, #tpu.memory_space<vmem>> -> memref<128xi32, #tpu.memory_space<vmem>>
        %dma_start3A_111 = arith.constant 0 : i32
        %dma_start3A_112 = arith.constant 0 : i32
        %dma_start3A_113 = tpu.memref_slice %arg10[%dma_start3A_111, %dma_start3A_112] : memref<10240x128xf32, #tpu.memory_space<vmem_shared>> -> memref<10240x128xf32, #tpu.memory_space<vmem_shared>>
        tpu.enqueue_indirect_dma source(%dma_start3A_107 : memref<128x128xf32, #tpu.memory_space<vmem>>) target(%dma_start3A_113 : memref<10240x128xf32, #tpu.memory_space<vmem_shared>>) offsets(%dma_start3A_110 : memref<128xi32, #tpu.memory_space<vmem>>) semaphore(%arg14 : memref<!tpu.dma_semaphore, #tpu.memory_space<semaphore_mem>>) {add = true}
        %dma_wait3A_114 = arith.constant 0 : i32
        %dma_wait3A_115 = arith.constant 0 : i32
        %dma_wait3A_116 = arith.constant 0 : i32
        %dma_wait3A_117 = tpu.memref_slice %arg9[%dma_wait3A_114, %dma_wait3A_115, %dma_wait3A_116] : memref<2x128x128xf32, #tpu.memory_space<vmem>> -> memref<1x128x128xf32, #tpu.memory_space<vmem>>
        %dma_wait3A_118 = tpu.memref_squeeze %dma_wait3A_117 : memref<1x128x128xf32, #tpu.memory_space<vmem>> -> memref<128x128xf32, #tpu.memory_space<vmem>>
        %dma_wait3A_119 = arith.constant 0 : i32
        %dma_wait3A_120 = tpu.memref_slice %arg8[%mul3A_54, %dma_wait3A_119] : memref<40x128xi32, #tpu.memory_space<vmem>> -> memref<1x128xi32, #tpu.memory_space<vmem>>
        %dma_wait3A_121 = tpu.memref_squeeze %dma_wait3A_120 : memref<1x128xi32, #tpu.memory_space<vmem>> -> memref<128xi32, #tpu.memory_space<vmem>>
        %dma_wait3A_122 = arith.constant 0 : i32
        %dma_wait3A_123 = arith.constant 0 : i32
        %dma_wait3A_124 = tpu.memref_slice %arg10[%dma_wait3A_122, %dma_wait3A_123] : memref<10240x128xf32, #tpu.memory_space<vmem_shared>> -> memref<10240x128xf32, #tpu.memory_space<vmem_shared>>
        tpu.wait_indirect_dma semaphore(%arg13 : memref<!tpu.dma_semaphore, #tpu.memory_space<semaphore_mem>>) src(%dma_wait3A_118 : memref<128x128xf32, #tpu.memory_space<vmem>>) dst(%dma_wait3A_124 : memref<10240x128xf32, #tpu.memory_space<vmem_shared>>)
        %lt3A = arith.constant 19 : i32
        %lt3A_125 = arith.cmpi slt, %scan3A_52, %lt3A : i32
        %convert_element_type3A_126 = arith.extui %lt3A_125 : i1 to i32
        %cond3A_127 = arith.constant 0 : i32
        %cond3A_128 = arith.cmpi ne, %convert_element_type3A_126, %cond3A_127 : i32
        scf.if %cond3A_128 {
          %add3A_129 = arith.constant 2 : i32
          %add3A_130 = arith.addi %mul3A_54, %add3A_129 : i32
          %dma_start3A_131 = arith.constant 0 : i32
          %dma_start3A_132 = arith.constant 0 : i32
          %dma_start3A_133 = arith.constant 0 : i32
          %dma_start3A_134 = tpu.memref_slice %arg9[%dma_start3A_131, %dma_start3A_132, %dma_start3A_133] : memref<2x128x128xf32, #tpu.memory_space<vmem>> -> memref<1x128x128xf32, #tpu.memory_space<vmem>>
          %dma_start3A_135 = tpu.memref_squeeze %dma_start3A_134 : memref<1x128x128xf32, #tpu.memory_space<vmem>> -> memref<128x128xf32, #tpu.memory_space<vmem>>
          %dma_start3A_136 = arith.constant 0 : i32
          %dma_start3A_137 = tpu.memref_slice %arg7[%add3A_130, %dma_start3A_136] : memref<40x128xi32, #tpu.memory_space<vmem>> -> memref<1x128xi32, #tpu.memory_space<vmem>>
          %dma_start3A_138 = tpu.memref_squeeze %dma_start3A_137 : memref<1x128xi32, #tpu.memory_space<vmem>> -> memref<128xi32, #tpu.memory_space<vmem>>
          %dma_start3A_139 = arith.constant 0 : i32
          %dma_start3A_140 = arith.constant 0 : i32
          %dma_start3A_141 = tpu.memref_slice %arg2[%dma_start3A_139, %dma_start3A_140] : memref<10240x128xf32, #tpu.memory_space<hbm>> -> memref<10240x128xf32, #tpu.memory_space<hbm>>
          tpu.enqueue_indirect_dma source(%dma_start3A_141 : memref<10240x128xf32, #tpu.memory_space<hbm>>) target(%dma_start3A_135 : memref<128x128xf32, #tpu.memory_space<vmem>>) offsets(%dma_start3A_138 : memref<128xi32, #tpu.memory_space<vmem>>) semaphore(%arg11 : memref<!tpu.dma_semaphore, #tpu.memory_space<semaphore_mem>>)
        } else {
        }
      }
      %scan3A_40 = arith.constant 20 : i32
      %dma_wait3A = arith.constant 1 : i32
      %dma_wait3A_41 = arith.constant 39 : i32
      %dma_wait3A_42 = arith.constant 0 : i32
      %dma_wait3A_43 = arith.constant 0 : i32
      %dma_wait3A_44 = tpu.memref_slice %arg9[%dma_wait3A, %dma_wait3A_42, %dma_wait3A_43] : memref<2x128x128xf32, #tpu.memory_space<vmem>> -> memref<1x128x128xf32, #tpu.memory_space<vmem>>
      %dma_wait3A_45 = tpu.memref_squeeze %dma_wait3A_44 : memref<1x128x128xf32, #tpu.memory_space<vmem>> -> memref<128x128xf32, #tpu.memory_space<vmem>>
      %dma_wait3A_46 = arith.constant 0 : i32
      %dma_wait3A_47 = tpu.memref_slice %arg8[%dma_wait3A_41, %dma_wait3A_46] : memref<40x128xi32, #tpu.memory_space<vmem>> -> memref<1x128xi32, #tpu.memory_space<vmem>>
      %dma_wait3A_48 = tpu.memref_squeeze %dma_wait3A_47 : memref<1x128xi32, #tpu.memory_space<vmem>> -> memref<128xi32, #tpu.memory_space<vmem>>
      %dma_wait3A_49 = arith.constant 0 : i32
      %dma_wait3A_50 = arith.constant 0 : i32
      %dma_wait3A_51 = tpu.memref_slice %arg10[%dma_wait3A_49, %dma_wait3A_50] : memref<10240x128xf32, #tpu.memory_space<vmem_shared>> -> memref<10240x128xf32, #tpu.memory_space<vmem_shared>>
      tpu.wait_indirect_dma semaphore(%arg14 : memref<!tpu.dma_semaphore, #tpu.memory_space<semaphore_mem>>) src(%dma_wait3A_45 : memref<128x128xf32, #tpu.memory_space<vmem>>) dst(%dma_wait3A_51 : memref<10240x128xf32, #tpu.memory_space<vmem_shared>>)
    }
    %scan3A_11 = arith.constant 2 : i32
    %barrier3A_12 = arith.constant 0 : index
    tpu.barrier barrier_id(%barrier3A_12)
    %mul3A_13 = arith.constant 640 : i32
    %mul3A_14 = arith.muli %arg1, %mul3A_13 : i32
    %mul3A_15 = arith.constant 640 : i32
    %mul3A_16 = arith.muli %arg1, %mul3A_15 : i32
    "tpu.region"() ({
      %run_scoped3A = tpu.sem_alloc : memref<!tpu.dma_semaphore, #tpu.memory_space<semaphore_mem>>
      %dma_start3A = arith.constant 0 : i32
      %dma_start3A_17 = tpu.memref_slice %arg6[%arg0, %mul3A_16, %dma_start3A] : memref<2x10240x128xf32, #tpu.memory_space<hbm>> -> memref<1x640x128xf32, #tpu.memory_space<hbm>>
      %dma_start3A_18 = tpu.memref_squeeze %dma_start3A_17 : memref<1x640x128xf32, #tpu.memory_space<hbm>> -> memref<640x128xf32, #tpu.memory_space<hbm>>
      %dma_start3A_19 = arith.constant 0 : i32
      %dma_start3A_20 = tpu.memref_slice %arg10[%mul3A_14, %dma_start3A_19] : memref<10240x128xf32, #tpu.memory_space<vmem_shared>> -> memref<640x128xf32, #tpu.memory_space<vmem_shared>>
      tpu.enqueue_dma source(%dma_start3A_20 : memref<640x128xf32, #tpu.memory_space<vmem_shared>>) target(%dma_start3A_18 : memref<640x128xf32, #tpu.memory_space<hbm>>) target_semaphore(%run_scoped3A : memref<!tpu.dma_semaphore, #tpu.memory_space<semaphore_mem>>)
      %dma_wait3A = arith.constant 0 : i32
      %dma_wait3A_21 = tpu.memref_slice %arg6[%arg0, %mul3A_16, %dma_wait3A] : memref<2x10240x128xf32, #tpu.memory_space<hbm>> -> memref<1x640x128xf32, #tpu.memory_space<hbm>>
      %dma_wait3A_22 = tpu.memref_squeeze %dma_wait3A_21 : memref<1x640x128xf32, #tpu.memory_space<hbm>> -> memref<640x128xf32, #tpu.memory_space<hbm>>
      %dma_wait3A_23 = arith.constant 0 : i32
      %dma_wait3A_24 = tpu.memref_slice %arg10[%mul3A_14, %dma_wait3A_23] : memref<10240x128xf32, #tpu.memory_space<vmem_shared>> -> memref<640x128xf32, #tpu.memory_space<vmem_shared>>
      tpu.wait_dma2 semaphore(%run_scoped3A : memref<!tpu.dma_semaphore, #tpu.memory_space<semaphore_mem>>) src(%dma_wait3A_24 : memref<640x128xf32, #tpu.memory_space<vmem_shared>>) dst(%dma_wait3A_22 : memref<640x128xf32, #tpu.memory_space<hbm>>)
      tpu.yield
    }) : () -> ()
    return
  }
}

module attributes {stable_mosaic.version = 14 : i64} {
  func.func @_tc1a_body(%arg0: i32, %arg1: i32, %arg2: memref<256x128xf32, #tpu.memory_space<vmem>>, %arg3: memref<128x128xf32, #tpu.memory_space<vmem>>, %arg4: memref<256x128xf32, #tpu.memory_space<vmem>>) attributes {dimension_semantics = [#tpu.dimension_semantics<arbitrary>, #tpu.dimension_semantics<arbitrary>], iteration_bounds = array<i64: 40, 2>, scalar_prefetch = 0 : i64, scratch_operands = 0 : i64, tpu.core_type = #tpu.core_type<tc>, window_params = [{transform_indices = @transform_0, window_bounds = array<i64: 256, 128>}, {transform_indices = @transform_1, window_bounds = array<i64: 128, 128>}, {transform_indices = @transform_2, window_bounds = array<i64: 256, 128>}]} {
    %get3A = arith.constant 0 : index
    %get3A_0 = arith.constant 0 : index
    %get3A_1 = vector.load %arg2[%get3A, %get3A_0] : memref<256x128xf32, #tpu.memory_space<vmem>>, vector<256x128xf32>
    %get3A_2 = arith.constant 0 : index
    %get3A_3 = arith.constant 0 : index
    %get3A_4 = vector.load %arg3[%get3A_2, %get3A_3] : memref<128x128xf32, #tpu.memory_space<vmem>>, vector<128x128xf32>
    %dot_general3A = arith.constant dense<0.000000e+00> : vector<256x128xf32>
    %dot_general3A_5 = tpu.matmul %get3A_1, %get3A_4, %dot_general3A {dimension_numbers = #tpu.dot_dimension_numbers<[1], [0], [0], [1], [0, 0, 1, 1], [], []>, transpose_lhs_hint = false} : vector<256x128xf32>, vector<128x128xf32>, vector<256x128xf32> -> vector<256x128xf32>
    %swap3A = arith.constant 0 : index
    %swap3A_6 = arith.constant 0 : index
    %swap3A_7 = vector.load %arg4[%swap3A, %swap3A_6] : memref<256x128xf32, #tpu.memory_space<vmem>>, vector<256x128xf32>
    tpu.vector_store %arg4[%swap3A, %swap3A_6], %dot_general3A_5 {strides = array<i32>} : memref<256x128xf32, #tpu.memory_space<vmem>>, vector<256x128xf32>,
    return
  }
  func.func @transform_0(%arg0: i32, %arg1: i32) -> (i32, i32) {
    %c0_i32 = arith.constant 0 : i32
    %c0_i32_0 = arith.constant 0 : i32
    return %arg0, %c0_i32 : i32, i32
  }
  func.func @transform_1(%arg0: i32, %arg1: i32) -> (i32, i32) {
    %c0_i32 = arith.constant 0 : i32
    %c0_i32_0 = arith.constant 0 : i32
    return %c0_i32, %arg1 : i32, i32
  }
  func.func @transform_2(%arg0: i32, %arg1: i32) -> (i32, i32) {
    %mul3A = arith.constant 40 : i32
    %mul3A_0 = arith.muli %arg1, %mul3A : i32
    %add3A = arith.addi %mul3A_0, %arg0 : i32
    %c0_i32 = arith.constant 0 : i32
    %c0_i32_1 = arith.constant 0 : i32
    return %add3A, %c0_i32 : i32, i32
  }
}

module attributes {stable_mosaic.version = 14 : i64} {
  func.func @_tc1b_body(%arg0: i32, %arg1: i32, %arg2: memref<256x128xf32, #tpu.memory_space<vmem>>, %arg3: memref<2x256x128xf32, #tpu.memory_space<vmem>>, %arg4: memref<256x128xf32, #tpu.memory_space<vmem>>) attributes {dimension_semantics = [#tpu.dimension_semantics<arbitrary>, #tpu.dimension_semantics<arbitrary>], iteration_bounds = array<i64: 40, 2>, scalar_prefetch = 0 : i64, scratch_operands = 0 : i64, tpu.core_type = #tpu.core_type<tc>, window_params = [{transform_indices = @transform_0, window_bounds = array<i64: 256, 128>}, {transform_indices = @transform_1, window_bounds = array<i64: 2, 256, 128>}, {transform_indices = @transform_2, window_bounds = array<i64: 256, 128>}]} {
    %get3A = arith.constant 0 : index
    %get3A_0 = arith.constant 0 : index
    %get3A_1 = arith.constant 0 : index
    %get3A_2 = vector.load %arg3[%get3A, %get3A_0, %get3A_1] : memref<2x256x128xf32, #tpu.memory_space<vmem>>, vector<1x256x1xf32>
    %get3A_3 = vector.shape_cast %get3A_2 : vector<1x256x1xf32> to vector<256x1xf32>
    %get3A_4 = arith.constant 1 : index
    %get3A_5 = arith.constant 0 : index
    %get3A_6 = arith.constant 0 : index
    %get3A_7 = vector.load %arg3[%get3A_4, %get3A_5, %get3A_6] : memref<2x256x128xf32, #tpu.memory_space<vmem>>, vector<1x256x1xf32>
    %get3A_8 = vector.shape_cast %get3A_7 : vector<1x256x1xf32> to vector<256x1xf32>
    %add3A = arith.addf %get3A_3, %get3A_8 : vector<256x1xf32>
    %add3A_9 = arith.constant 1.000000e+00 : f32
    %add3A_10 = vector.broadcast %add3A_9 : f32 to vector<256x1xf32>
    %add3A_11 = arith.addf %add3A, %add3A_10 : vector<256x1xf32>
    %rsqrt3A = math.rsqrt %add3A_11 : vector<256x1xf32>
    %get3A_12 = arith.constant 0 : index
    %get3A_13 = arith.constant 0 : index
    %get3A_14 = vector.load %arg2[%get3A_12, %get3A_13] : memref<256x128xf32, #tpu.memory_space<vmem>>, vector<256x128xf32>
    %mul3A = vector.broadcast %rsqrt3A : vector<256x1xf32> to vector<256x128xf32>
    %mul3A_15 = arith.mulf %get3A_14, %mul3A : vector<256x128xf32>
    %swap3A = arith.constant 0 : index
    %swap3A_16 = arith.constant 0 : index
    %swap3A_17 = vector.load %arg4[%swap3A, %swap3A_16] : memref<256x128xf32, #tpu.memory_space<vmem>>, vector<256x128xf32>
    tpu.vector_store %arg4[%swap3A, %swap3A_16], %mul3A_15 {strides = array<i32>} : memref<256x128xf32, #tpu.memory_space<vmem>>, vector<256x128xf32>,
    return
  }
  func.func @transform_0(%arg0: i32, %arg1: i32) -> (i32, i32) {
    %mul3A = arith.constant 40 : i32
    %mul3A_0 = arith.muli %arg1, %mul3A : i32
    %add3A = arith.addi %mul3A_0, %arg0 : i32
    %c0_i32 = arith.constant 0 : i32
    %c0_i32_1 = arith.constant 0 : i32
    return %add3A, %c0_i32 : i32, i32
  }
  func.func @transform_1(%arg0: i32, %arg1: i32) -> (i32, i32, i32) {
    %c0_i32 = arith.constant 0 : i32
    %c0_i32_0 = arith.constant 0 : i32
    %c0_i32_1 = arith.constant 0 : i32
    return %c0_i32, %arg0, %c0_i32_0 : i32, i32, i32
  }
  func.func @transform_2(%arg0: i32, %arg1: i32) -> (i32, i32) {
    %mul3A = arith.constant 40 : i32
    %mul3A_0 = arith.muli %arg1, %mul3A : i32
    %add3A = arith.addi %mul3A_0, %arg0 : i32
    %c0_i32 = arith.constant 0 : i32
    %c0_i32_1 = arith.constant 0 : i32
    return %add3A, %c0_i32 : i32, i32
  }
}

module attributes {stable_mosaic.version = 14 : i64} {
  func.func @_tc2_body(%arg0: i32, %arg1: memref<2x256x128xf32, #tpu.memory_space<vmem>>, %arg2: memref<256x128xf32, #tpu.memory_space<vmem>>, %arg3: memref<256x128xf32, #tpu.memory_space<vmem>>, %arg4: memref<2x256x128xf32, #tpu.memory_space<vmem>>, %arg5: memref<2x128xf32, #tpu.memory_space<vmem>>, %arg6: memref<256x128xf32, #tpu.memory_space<vmem>>, %arg7: memref<256x128xf32, #tpu.memory_space<vmem>>) attributes {dimension_semantics = [#tpu.dimension_semantics<arbitrary>], iteration_bounds = array<i64: 40>, scalar_prefetch = 0 : i64, scratch_operands = 0 : i64, tpu.core_type = #tpu.core_type<tc>, window_params = [{transform_indices = @transform_0, window_bounds = array<i64: 2, 256, 128>}, {transform_indices = @transform_1, window_bounds = array<i64: 256, 128>}, {transform_indices = @transform_2, window_bounds = array<i64: 256, 128>}, {transform_indices = @transform_3, window_bounds = array<i64: 2, 256, 128>}, {pipeline_mode = #tpu.pipeline_mode<synchronous>, transform_indices = @transform_4, window_bounds = array<i64: 2, 128>}, {pipeline_mode = #tpu.pipeline_mode<synchronous>, transform_indices = @transform_5, window_bounds = array<i64: 256, 128>}, {transform_indices = @transform_6, window_bounds = array<i64: 256, 128>}]} {
    %get3A = arith.constant 0 : index
    %get3A_0 = arith.constant 0 : index
    %get3A_1 = arith.constant 0 : index
    %get3A_2 = vector.load %arg4[%get3A, %get3A_0, %get3A_1] : memref<2x256x128xf32, #tpu.memory_space<vmem>>, vector<1x256x1xf32>
    %get3A_3 = vector.shape_cast %get3A_2 : vector<1x256x1xf32> to vector<256x1xf32>
    %get3A_4 = arith.constant 1 : index
    %get3A_5 = arith.constant 0 : index
    %get3A_6 = arith.constant 0 : index
    %get3A_7 = vector.load %arg4[%get3A_4, %get3A_5, %get3A_6] : memref<2x256x128xf32, #tpu.memory_space<vmem>>, vector<1x256x1xf32>
    %get3A_8 = vector.shape_cast %get3A_7 : vector<1x256x1xf32> to vector<256x1xf32>
    %add3A = arith.addf %get3A_3, %get3A_8 : vector<256x1xf32>
    %add3A_9 = arith.constant 1.000000e+00 : f32
    %add3A_10 = vector.broadcast %add3A_9 : f32 to vector<256x1xf32>
    %add3A_11 = arith.addf %add3A, %add3A_10 : vector<256x1xf32>
    %rsqrt3A = math.rsqrt %add3A_11 : vector<256x1xf32>
    %get3A_12 = arith.constant 0 : index
    %get3A_13 = arith.constant 0 : index
    %get3A_14 = arith.constant 0 : index
    %get3A_15 = vector.load %arg1[%get3A_12, %get3A_13, %get3A_14] : memref<2x256x128xf32, #tpu.memory_space<vmem>>, vector<1x256x128xf32>
    %get3A_16 = vector.shape_cast %get3A_15 : vector<1x256x128xf32> to vector<256x128xf32>
    %get3A_17 = arith.constant 0 : index
    %get3A_18 = arith.constant 0 : index
    %get3A_19 = vector.load %arg2[%get3A_17, %get3A_18] : memref<256x128xf32, #tpu.memory_space<vmem>>, vector<256x128xf32>
    %add3A_20 = arith.addf %get3A_16, %get3A_19 : vector<256x128xf32>
    %mul3A = vector.broadcast %rsqrt3A : vector<256x1xf32> to vector<256x128xf32>
    %mul3A_21 = arith.mulf %mul3A, %add3A_20 : vector<256x128xf32>
    %get3A_22 = arith.constant 0 : index
    %get3A_23 = arith.constant 0 : index
    %get3A_24 = vector.load %arg5[%get3A_22, %get3A_23] : memref<2x128xf32, #tpu.memory_space<vmem>>, vector<1x128xf32>
    %add3A_25 = vector.broadcast %get3A_24 : vector<1x128xf32> to vector<256x128xf32>
    %add3A_26 = arith.addf %mul3A_21, %add3A_25 : vector<256x128xf32>
    %max3A = arith.constant 0.000000e+00 : f32
    %max3A_27 = vector.broadcast %max3A : f32 to vector<256x128xf32>
    %max3A_28 = arith.maximumf %add3A_26, %max3A_27 : vector<256x128xf32>
    %get3A_29 = arith.constant 1 : index
    %get3A_30 = arith.constant 0 : index
    %get3A_31 = arith.constant 0 : index
    %get3A_32 = vector.load %arg1[%get3A_29, %get3A_30, %get3A_31] : memref<2x256x128xf32, #tpu.memory_space<vmem>>, vector<1x256x128xf32>
    %get3A_33 = vector.shape_cast %get3A_32 : vector<1x256x128xf32> to vector<256x128xf32>
    %get3A_34 = arith.constant 0 : index
    %get3A_35 = arith.constant 0 : index
    %get3A_36 = vector.load %arg3[%get3A_34, %get3A_35] : memref<256x128xf32, #tpu.memory_space<vmem>>, vector<256x128xf32>
    %add3A_37 = arith.addf %get3A_33, %get3A_36 : vector<256x128xf32>
    %mul3A_38 = vector.broadcast %rsqrt3A : vector<256x1xf32> to vector<256x128xf32>
    %mul3A_39 = arith.mulf %mul3A_38, %add3A_37 : vector<256x128xf32>
    %get3A_40 = arith.constant 1 : index
    %get3A_41 = arith.constant 0 : index
    %get3A_42 = vector.load %arg5[%get3A_40, %get3A_41] : memref<2x128xf32, #tpu.memory_space<vmem>>, vector<1x128xf32>
    %add3A_43 = vector.broadcast %get3A_42 : vector<1x128xf32> to vector<256x128xf32>
    %add3A_44 = arith.addf %mul3A_39, %add3A_43 : vector<256x128xf32>
    %max3A_45 = arith.constant 0.000000e+00 : f32
    %max3A_46 = vector.broadcast %max3A_45 : f32 to vector<256x128xf32>
    %max3A_47 = arith.maximumf %add3A_44, %max3A_46 : vector<256x128xf32>
    %get3A_48 = arith.constant 0 : index
    %get3A_49 = arith.constant 0 : index
    %get3A_50 = vector.load %arg6[%get3A_48, %get3A_49] : memref<256x128xf32, #tpu.memory_space<vmem>>, vector<128x128xf32>
    %dot_general3A = arith.constant dense<0.000000e+00> : vector<256x128xf32>
    %dot_general3A_51 = tpu.matmul %max3A_28, %get3A_50, %dot_general3A {dimension_numbers = #tpu.dot_dimension_numbers<[1], [0], [0], [1], [0, 0, 1, 1], [], []>, transpose_lhs_hint = false} : vector<256x128xf32>, vector<128x128xf32>, vector<256x128xf32> -> vector<256x128xf32>
    %get3A_52 = arith.constant 128 : index
    %get3A_53 = arith.constant 0 : index
    %get3A_54 = vector.load %arg6[%get3A_52, %get3A_53] : memref<256x128xf32, #tpu.memory_space<vmem>>, vector<128x128xf32>
    %dot_general3A_55 = arith.constant dense<0.000000e+00> : vector<256x128xf32>
    %dot_general3A_56 = tpu.matmul %max3A_47, %get3A_54, %dot_general3A_55 {dimension_numbers = #tpu.dot_dimension_numbers<[1], [0], [0], [1], [0, 0, 1, 1], [], []>, transpose_lhs_hint = false} : vector<256x128xf32>, vector<128x128xf32>, vector<256x128xf32> -> vector<256x128xf32>
    %add3A_57 = arith.addf %dot_general3A_51, %dot_general3A_56 : vector<256x128xf32>
    %mul3A_58 = vector.broadcast %rsqrt3A : vector<256x1xf32> to vector<256x128xf32>
    %mul3A_59 = arith.mulf %add3A_57, %mul3A_58 : vector<256x128xf32>
    %swap3A = arith.constant 0 : index
    %swap3A_60 = arith.constant 0 : index
    %swap3A_61 = vector.load %arg7[%swap3A, %swap3A_60] : memref<256x128xf32, #tpu.memory_space<vmem>>, vector<256x128xf32>
    tpu.vector_store %arg7[%swap3A, %swap3A_60], %mul3A_59 {strides = array<i32>} : memref<256x128xf32, #tpu.memory_space<vmem>>, vector<256x128xf32>,
    return
  }
  func.func @transform_0(%arg0: i32) -> (i32, i32, i32) {
    %c0_i32 = arith.constant 0 : i32
    %c0_i32_0 = arith.constant 0 : i32
    %c0_i32_1 = arith.constant 0 : i32
    return %c0_i32, %arg0, %c0_i32_0 : i32, i32, i32
  }
  func.func @transform_1(%arg0: i32) -> (i32, i32) {
    %c0_i32 = arith.constant 0 : i32
    %c0_i32_0 = arith.constant 0 : i32
    return %arg0, %c0_i32 : i32, i32
  }
  func.func @transform_2(%arg0: i32) -> (i32, i32) {
    %add3A = arith.constant 40 : i32
    %add3A_0 = arith.addi %add3A, %arg0 : i32
    %c0_i32 = arith.constant 0 : i32
    %c0_i32_1 = arith.constant 0 : i32
    return %add3A_0, %c0_i32 : i32, i32
  }
  func.func @transform_3(%arg0: i32) -> (i32, i32, i32) {
    %c0_i32 = arith.constant 0 : i32
    %c0_i32_0 = arith.constant 0 : i32
    %c0_i32_1 = arith.constant 0 : i32
    return %c0_i32, %arg0, %c0_i32_0 : i32, i32, i32
  }
  func.func @transform_4(%arg0: i32) -> (i32, i32) {
    %c0_i32 = arith.constant 0 : i32
    %c0_i32_0 = arith.constant 0 : i32
    %c0_i32_1 = arith.constant 0 : i32
    return %c0_i32, %c0_i32_0 : i32, i32
  }
  func.func @transform_5(%arg0: i32) -> (i32, i32) {
    %c0_i32 = arith.constant 0 : i32
    %c0_i32_0 = arith.constant 0 : i32
    %c0_i32_1 = arith.constant 0 : i32
    return %c0_i32, %c0_i32_0 : i32, i32
  }
  func.func @transform_6(%arg0: i32) -> (i32, i32) {
    %c0_i32 = arith.constant 0 : i32
    %c0_i32_0 = arith.constant 0 : i32
    return %arg0, %c0_i32 : i32, i32
  }
}

module attributes {stable_mosaic.version = 14 : i64} {
  func.func @_tc3_body(%arg0: i32, %arg1: memref<2x256x128xf32, #tpu.memory_space<vmem>>, %arg2: memref<256x128xf32, #tpu.memory_space<vmem>>, %arg3: memref<2x256x128xf32, #tpu.memory_space<vmem>>, %arg4: memref<1x128xf32, #tpu.memory_space<vmem>>, %arg5: memref<256x128xf32, #tpu.memory_space<vmem>>) attributes {dimension_semantics = [#tpu.dimension_semantics<arbitrary>], iteration_bounds = array<i64: 40>, scalar_prefetch = 0 : i64, scratch_operands = 0 : i64, tpu.core_type = #tpu.core_type<tc>, window_params = [{transform_indices = @transform_0, window_bounds = array<i64: 2, 256, 128>}, {transform_indices = @transform_1, window_bounds = array<i64: 256, 128>}, {transform_indices = @transform_2, window_bounds = array<i64: 2, 256, 128>}, {pipeline_mode = #tpu.pipeline_mode<synchronous>, transform_indices = @transform_3, window_bounds = array<i64: 1, 128>}, {transform_indices = @transform_4, window_bounds = array<i64: 256, 128>}]} {
    %get3A = arith.constant 0 : index
    %get3A_0 = arith.constant 0 : index
    %get3A_1 = arith.constant 0 : index
    %get3A_2 = vector.load %arg3[%get3A, %get3A_0, %get3A_1] : memref<2x256x128xf32, #tpu.memory_space<vmem>>, vector<1x256x1xf32>
    %get3A_3 = vector.shape_cast %get3A_2 : vector<1x256x1xf32> to vector<256x1xf32>
    %get3A_4 = arith.constant 1 : index
    %get3A_5 = arith.constant 0 : index
    %get3A_6 = arith.constant 0 : index
    %get3A_7 = vector.load %arg3[%get3A_4, %get3A_5, %get3A_6] : memref<2x256x128xf32, #tpu.memory_space<vmem>>, vector<1x256x1xf32>
    %get3A_8 = vector.shape_cast %get3A_7 : vector<1x256x1xf32> to vector<256x1xf32>
    %add3A = arith.addf %get3A_3, %get3A_8 : vector<256x1xf32>
    %add3A_9 = arith.constant 1.000000e+00 : f32
    %add3A_10 = vector.broadcast %add3A_9 : f32 to vector<256x1xf32>
    %add3A_11 = arith.addf %add3A, %add3A_10 : vector<256x1xf32>
    %rsqrt3A = math.rsqrt %add3A_11 : vector<256x1xf32>
    %get3A_12 = arith.constant 0 : index
    %get3A_13 = arith.constant 0 : index
    %get3A_14 = arith.constant 0 : index
    %get3A_15 = vector.load %arg1[%get3A_12, %get3A_13, %get3A_14] : memref<2x256x128xf32, #tpu.memory_space<vmem>>, vector<1x256x128xf32>
    %get3A_16 = vector.shape_cast %get3A_15 : vector<1x256x128xf32> to vector<256x128xf32>
    %get3A_17 = arith.constant 1 : index
    %get3A_18 = arith.constant 0 : index
    %get3A_19 = arith.constant 0 : index
    %get3A_20 = vector.load %arg1[%get3A_17, %get3A_18, %get3A_19] : memref<2x256x128xf32, #tpu.memory_space<vmem>>, vector<1x256x128xf32>
    %get3A_21 = vector.shape_cast %get3A_20 : vector<1x256x128xf32> to vector<256x128xf32>
    %add3A_22 = arith.addf %get3A_16, %get3A_21 : vector<256x128xf32>
    %get3A_23 = arith.constant 0 : index
    %get3A_24 = arith.constant 0 : index
    %get3A_25 = vector.load %arg2[%get3A_23, %get3A_24] : memref<256x128xf32, #tpu.memory_space<vmem>>, vector<256x128xf32>
    %add3A_26 = arith.addf %add3A_22, %get3A_25 : vector<256x128xf32>
    %mul3A = vector.broadcast %rsqrt3A : vector<256x1xf32> to vector<256x128xf32>
    %mul3A_27 = arith.mulf %mul3A, %add3A_26 : vector<256x128xf32>
    %get3A_28 = arith.constant 0 : index
    %get3A_29 = arith.constant 0 : index
    %get3A_30 = vector.load %arg4[%get3A_28, %get3A_29] : memref<1x128xf32, #tpu.memory_space<vmem>>, vector<1x128xf32>
    %add3A_31 = vector.broadcast %get3A_30 : vector<1x128xf32> to vector<256x128xf32>
    %add3A_32 = arith.addf %mul3A_27, %add3A_31 : vector<256x128xf32>
    %swap3A = arith.constant 0 : index
    %swap3A_33 = arith.constant 0 : index
    %swap3A_34 = vector.load %arg5[%swap3A, %swap3A_33] : memref<256x128xf32, #tpu.memory_space<vmem>>, vector<256x128xf32>
    tpu.vector_store %arg5[%swap3A, %swap3A_33], %add3A_32 {strides = array<i32>} : memref<256x128xf32, #tpu.memory_space<vmem>>, vector<256x128xf32>,
    return
  }
  func.func @transform_0(%arg0: i32) -> (i32, i32, i32) {
    %c0_i32 = arith.constant 0 : i32
    %c0_i32_0 = arith.constant 0 : i32
    %c0_i32_1 = arith.constant 0 : i32
    return %c0_i32, %arg0, %c0_i32_0 : i32, i32, i32
  }
  func.func @transform_1(%arg0: i32) -> (i32, i32) {
    %c0_i32 = arith.constant 0 : i32
    %c0_i32_0 = arith.constant 0 : i32
    return %arg0, %c0_i32 : i32, i32
  }
  func.func @transform_2(%arg0: i32) -> (i32, i32, i32) {
    %c0_i32 = arith.constant 0 : i32
    %c0_i32_0 = arith.constant 0 : i32
    %c0_i32_1 = arith.constant 0 : i32
    return %c0_i32, %arg0, %c0_i32_0 : i32, i32, i32
  }
  func.func @transform_3(%arg0: i32) -> (i32, i32) {
    %c0_i32 = arith.constant 0 : i32
    %c0_i32_0 = arith.constant 0 : i32
    %c0_i32_1 = arith.constant 0 : i32
    return %c0_i32, %c0_i32_0 : i32, i32
  }
  func.func @transform_4(%arg0: i32) -> (i32, i32) {
    %c0_i32 = arith.constant 0 : i32
    %c0_i32_0 = arith.constant 0 : i32
    return %arg0, %c0_i32 : i32, i32
  }
}

</mosaic_0001>

<sc_bundles>
// kernel: kernel.12.cloned.1.call-start
scs
__scs_entry_jumppad:
0x0: {  	(pc) =	sbr.rel $0x88, $3  }
0x1: {  	(tag) =	ssettag $0x0;
	lr =	simm.s32 $0x1  }
0x2: {  	[smem:$0x3F9B] =	sst lr;
	_ =	strace $0xD0000000  }
0x3: {  	_ = 	snop  }
0x4: {  	_ = 	snop  }
0x5: {  	_ = 	snop  }
0x6: {  	_ = 	snop  }
0x7: {  	_ = 	snop  }
__scs_overlays_trampoline_lowered:
0x8: {  	[smem:$0x3FAA] =	sst s0  }
0x9: {  	[smem:$0x3FAB] =	sst s1  }
0xa: {  	[smem:$0x3FAC] =	sst s2  }
0xb: {  	[smem:$0x3FAD] =	sst s3  }
0xc: {  	[smem:$0x3FAE] =	sst s4  }
0xd: {  	[smem:$0x3FAF] =	sst s5  }
0xe: {  	[smem:$0x3FB0] =	sst s6  }
0xf: {  	[smem:$0x3FB1] =	sst s7  }
0x10: {  	[smem:$0x3FB2] =	sst s8  }
0x11: {  	[smem:$0x3FB3] =	sst s9;
	s0 =	simm.s32 @!p0 $0x0  }
0x12: {  	s1 =	sld [smem:$0x3F99];
	s0 =	simm.s32 @p0 $0x1  }
0x13: {  	[smem:$0x3FB4] =	sst s0;
	s0 =	simm.s32 @!p1 $0x0  }
0x14: {  	s2 =	sld [smem:$0x3F98];
	s0 =	simm.s32 @p1 $0x1  }
0x15: {  	[smem:$0x3FB5] =	sst s0;
	s0 =	simm.s32 @!p2 $0x0  }
0x16: {  	s3 =	sld [smem:$0x3FDB];
	s0 =	simm.s32 @p2 $0x1  }
0x17: {  	s4 =	simm.s32 $0x1BF5;
	[smem:$0x3FB7] =	sst s0  }
0x18: {  	s0 =	sld [smem:$0x3F9A];
	_ =	swait.ge [sflag:s4], $0x0  }
0x19: {  	s7 =	sld [smem:$0x3F9B]  }
0x1a: {  	s8 =	sadd.s32 $0xFFFFE003, lr  }
0x1b: {  	s9 =	sadd.s32 $0xFFFFFEF7, lr;
	s5 =	simm.s32 $0xFFFFFFFF;
	p2 =	slt.u32 s8, $0xFFFFF086  }
0x1c: {  	p1 =	slt.u32 s9, $0xF7A;
	s5 =	simm.s32 @!p2 $0x0  }
0x1d: {  	s5 =	simm.s32 @p1 $0x1;
	p0 =	seq.s32 s7, s2  }
0x1e: {  	s7 =	smul.u32 @!p0 $0xF7A, s2;
	p2 =	seq.s32 @!p0 s5, $0x0  }
0x1f: {  	s9 =	smul.u32 $0xF7A, s1;
	s8 =	simm.s32 @!p0 $0x1BF5;
	p2 =	por !p2, p0  }
0x20: {  	[sflag:s8] =	ssyncset.s32 @!p0 $0xFFFFF086;
	s6 =	sadd.s32 @!p0 s3, s7;
	s7 =	simm.s32 @!p0 $0x108  }
0x21: {  	s3 =	sadd.s32 s3, s9;
	s6 =	sadd.s32 @!p0 $0x88, s6;
	s7 =	simm.s32 @p2 $0x1082  }
0x22: {  	[simem:s7], [sflag:s8] =	dma.local @!p0 [hbm:s6], $0xF7A  }
0x23: {  	s9 =	sor.u32 $0xD0000000, s2;
	s6 =	simm.s32 $0x108;
	_ =	swait.ge @!p0 [sflag:s8], $0x0  }
0x24: {  	s3 =	sadd.s32 $0x88, s3;
	s6 =	simm.s32 @!p1 $0x1082;
	[sflag:s4] =	ssyncset.s32 $0xFFFFF086  }
0x25: {  	[simem:s6], [sflag:s4] =	dma.local [hbm:s3], $0xF7A  }
0x26: {  	[smem:$0x3F9B] =	sst s1;
	(tag) =	ssettag s2;
	_ =	strace s9  }
0x27: {  	s1 =	sld [smem:$0x3FAB]  }
0x28: {  	s2 =	sld [smem:$0x3FAC]  }
0x29: {  	s4 =	sld [smem:$0x3FAE]  }
0x2a: {  	p0 =	seq.s32 s5, $0x0;
	s5 =	sld [smem:$0x3FAF]  }
0x2b: {  	s6 =	sld [smem:$0x3FB0]  }
0x2c: {  	s7 =	sld [smem:$0x3FB1]  }
0x2d: {  	s3 =	simm.s32 $0x108;
	s8 =	sld [smem:$0x3FB2]  }
0x2e: {  	s3 =	simm.s32 @!p0 $0x1082;
	s9 =	sld [smem:$0x3FB3]  }
0x2f: {  	lr =	sadd.s32 s0, s3;
	s0 =	sld [smem:$0x3FAA]  }
0x30: {  	s3 =	sld [smem:$0x3FAD]  }
0x31: {  	[smem:$0x3FB6] =	sst s10  }
0x32: {  	s10 =	sld [smem:$0x3FB4];
	_ =	sdelay $0x3  }
0x33: {  	p0 =	seq.s32 s10, $0x1;
	s10 =	sld [smem:$0x3FB6];
	_ =	sdelay $0x3  }
0x34: {  	[smem:$0x3FB6] =	sst s10  }
0x35: {  	s10 =	sld [smem:$0x3FB5];
	_ =	sdelay $0x3  }
0x36: {  	p1 =	seq.s32 s10, $0x1;
	s10 =	sld [smem:$0x3FB6];
	_ =	sdelay $0x3  }
0x37: {  	[smem:$0x3FB6] =	sst s10  }
0x38: {  	s10 =	sld [smem:$0x3FB7]  }
0x39: {  	_ = 	snop;
	(pc) =	sbr.ind lr, $3  }
0x3a: {  	_ = 	snop  }
0x3b: {  	_ = 	snop  }
0x3c: {  	p2 =	seq.s32 s10, $0x1;
	s10 =	sld [smem:$0x3FB6]  }
0x3d: {  	_ =	shalt  }
0x3e: {  	_ =	shalt  }
0x3f: {  	_ =	shalt  }
0x40: {  	_ =	shalt  }
0x41: {  	_ =	shalt  }
0x42: {  	_ =	shalt  }
0x43: {  	_ =	shalt  }
0x44: {  	_ =	shalt  }
0x45: {  	_ =	shalt  }
0x46: {  	_ =	shalt  }
0x47: {  	_ =	shalt  }
0x48: {  	_ =	shalt  }
0x49: {  	_ =	shalt  }
0x4a: {  	_ =	shalt  }
0x4b: {  	_ =	shalt  }
0x4c: {  	_ =	shalt  }
0x4d: {  	_ =	shalt  }
0x4e: {  	_ =	shalt  }
0x4f: {  	_ =	shalt  }
0x50: {  	_ =	shalt  }
0x51: {  	_ =	shalt  }
0x52: {  	_ =	shalt  }
0x53: {  	_ =	shalt  }
0x54: {  	_ =	shalt  }
0x55: {  	_ =	shalt  }
0x56: {  	_ =	shalt  }
0x57: {  	_ =	shalt  }
0x58: {  	_ =	shalt  }
0x59: {  	_ =	shalt  }
0x5a: {  	_ =	shalt  }
0x5b: {  	_ =	shalt  }
0x5c: {  	_ =	shalt  }
0x5d: {  	_ =	shalt  }
0x5e: {  	_ =	shalt  }
0x5f: {  	_ =	shalt  }
0x60: {  	_ =	shalt  }
0x61: {  	_ =	shalt  }
0x62: {  	_ =	shalt  }
0x63: {  	_ =	shalt  }
0x64: {  	_ =	shalt  }
0x65: {  	_ =	shalt  }
0x66: {  	_ =	shalt  }
0x67: {  	_ =	shalt  }
0x68: {  	_ =	shalt  }
0x69: {  	_ =	shalt  }
0x6a: {  	_ =	shalt  }
0x6b: {  	_ =	shalt  }
0x6c: {  	_ =	shalt  }
0x6d: {  	_ =	shalt  }
0x6e: {  	_ =	shalt  }
0x6f: {  	_ =	shalt  }
0x70: {  	_ =	shalt  }
0x71: {  	_ =	shalt  }
0x72: {  	_ =	shalt  }
0x73: {  	_ =	shalt  }
0x74: {  	_ =	shalt  }
0x75: {  	_ =	shalt  }
0x76: {  	_ =	shalt  }
0x77: {  	_ =	shalt  }
0x78: {  	_ =	shalt  }
0x79: {  	_ =	shalt  }
0x7a: {  	_ =	shalt  }
0x7b: {  	_ =	shalt  }
0x7c: {  	_ =	shalt  }
0x7d: {  	_ =	shalt  }
0x7e: {  	_ =	shalt  }
0x7f: {  	_ =	shalt  }
0x80: {  	_ =	shalt  }
0x81: {  	_ =	shalt  }
0x82: {  	_ =	shalt  }
0x83: {  	_ =	shalt  }
0x84: {  	_ =	shalt  }
0x85: {  	_ =	shalt  }
0x86: {  	_ =	shalt  }
0x87: {  	_ =	shalt  }
.Lfunc_end0:
.L_simem_size_0:
called_computation.1_lowered:
.L_overlay_start_0:
0x88: {  	s2 =	sld [smem:$0x3FD9]  }
0x89: {  	s3 =	sld [smem:$0x3FFE];
	_ =	sdelay $0x1  }
0x8a: {  	s1 =	srdreg.scid  }
0x8b: {  	s0 =	sand.u32 $0x1, s1  }
0x8c: {  	s17 =	sshll.u32 s0, $0xA;
	s2 =	sadd.s32 s3, s2  }
0x8d: {  	s2 =	sadd.s32 s2, s17  }
0x8e: {  	[smem:$0x3FC2] =	sst s2  }
0x8f: {  	_ = 	snop  }
0x90: {  	s2 =	sld [smem:$0x3FD0];
	(tm) =	ssettm $0x1  }
0x91: {  	s18 =	sld [smem:$0x3FFB];
	_ =	sdelay $0x3  }
0x92: {  	_ =	strace s18  }
0x93: {  	s3 =	sld [smem:$0x3FFC];
	_ =	sdelay $0x3  }
0x94: {  	_ =	strace s3  }
0x95: {  	s3 =	sld [smem:$0x3FFD];
	_ =	sdelay $0x3  }
0x96: {  	_ =	strace s3  }
0x97: {  	_ =	strace $0x8FFFFFFF  }
0x98: {  	s19 =	sld [smem:$0x3FDB];
	_ =	sdelay $0x1  }
0x99: {  	s4 =	simm.s32 $_scs_section_size  }
0x9a: {  	s5 =	simm.s32 $_size__tile_overlayer_lowered;
	s6 =	simm.s32 $_tile_overlayer_lowered  }
0x9b: {  	s22 =	simm.s32 $0x1BFF;
	s21 =	sshll.u32 s6, $0x1;
	s3 =	sadd.s32 s4, s19  }
0x9c: {  	s7 =	simm.s32 $0x0;
	s20 =	sshll.u32 s5, $0x1;
	s5 =	sadd.s32 s21, s3  }
0x9d: {  	[timem:s7], [sflag:s22] =	dma.local [hbm:s5], s20  }
0x9e: {  	_ =	swait.ge [sflag:s22], s20  }
0x9f: {  	s4 =	ssub.s32 $0x0, s20;
	[sflag:s22] =	ssyncset.done $0x0  }
0xa0: {  	[sflag:s22] =	ssyncadd.s32 s4;
	_ =	sdelay $0x1  }
0xa1: {  	s23 =	simm.s32 $0x1B8B  }
0xa2: {  	_ =	swait.ge [sflag:s23], $0x1  }
0xa3: {  	[sflag:s23] =	ssyncset.done $0x0  }
0xa4: {  	s25 =	simm.s32 $0x1B8E;
	s24 =	sld [smem:$0x3FFE];
	[sflag:s23] =	ssyncadd.s32 $0xFFFFFFFF  }
0xa5: {  	s26 =	simm.s32 $execute0_lowered;
	[smem:$0x3FD2] =	sst s25  }
0xa6: {  	s5 =	sshll.u32 s26, $0x1;
	_ =	strace $0x80000049;
	[dreg:$0x1] =	wrdreg $0xFFFFFFFF  }
0xa7: {  	s28 =	simm.s32 $_size_execute0_lowered;
	s3 =	sadd.s32 s3, s5;
	[dreg:$0x0] =	wrdreg $0x0  }
0xa8: {  	s5 =	sshll.u32 s28, $0x1;
	[dreg:$0x2] =	wrdreg s3  }
0xa9: {  	[dreg:$0x3] =	wrdreg s5  }
0xaa: {  	[dreg:$0x4] =	wrdreg $0xC0  }
0xab: {  	_ =	task [dreg:s7], $0x5FFFF  }
0xac: {  	[dreg:$0x1] =	wrdreg $0xFFFFFFFF  }
0xad: {  	[dreg:$0x0] =	wrdreg $0x60  }
0xae: {  	[dreg:$0x2] =	wrdreg s24  }
0xaf: {  	[dreg:$0x3] =	wrdreg s2  }
0xb0: {  	[dreg:$0x4] =	wrdreg $0xA8000  }
0xb1: {  	[dreg:$0x5] =	wrdreg $0x9  }
0xb2: {  	_ =	task.clear_ibuf [dreg:s7], $0x6FFFF;
	_ =	strace $0x90000049  }
0xb3: {  	s29 =	simm.s32 $0x9;
	_ =	strace $0x8000004B  }
0xb4: {  	_ =	swait.ge [sflag:s29], $0x1  }
0xb5: {  	[sflag:s29] =	ssyncadd.s32 $0xFFFFFFFF  }
0xb6: {  	_ =	strace $0x9000004B  }
0xb7: {  	_ =	sfence  }
0xb8: {  	s30 =	sld [smem:$0x0];
	_ =	sdelay $0x2  }
0xb9: {  	s31 =	sshll.u32 s1, $0xD;
	s1 =	sshrl.u32 s1, $0x2  }
0xba: {  	s3 =	sand.u32 $0x4000, s31;
	s1 =	sadd.s32 s1, s30  }
0xbb: {  	s0 =	sor.u32 s3, s0;
	s1 =	sshll.u32 s1, $0x11  }
0xbc: {  	s0 =	sor.u32 s1, s0  }
0xbd: {  	s0 =	sadd.s32 $0x8F2B, s0  }
0xbe: {  	[sflag:s0] =	ssyncadd.remote.s32 $0x1  }
0xbf: {  	_ =	sfence.sel $0xFFFF  }
0xc0: {  	[dreg:$0x0] =	wrdreg $0xFFFFFFFF;
	(pc) =	sbr.abs _section_cstart, $3  }
0xc1: {  	[dreg:$0x1] =	wrdreg $0xFFFFFFFF  }
0xc2: {  	_ =	task.clear_ibuf [dreg:s7], $0x2FFFF;
	_ =	strace $0x9FFFFFFF  }
0xc3: {  	(tm) =	ssettm $0x7FFFFFFF  }
tec
execute0_lowered:
.L_overlay_start_1:
0x0: {  	(tag) =	ssettag $0x1  }
0x1: {  	s7 =	rddreg [dreg:$0x0]  }
0x2: {  	s2 =	rddreg [dreg:$0x1]  }
0x3: {  	s3 =	rddreg [dreg:$0x2]  }
0x4: {  	s0 =	rddreg [dreg:$0x3]  }
0x5: {  	s4 =	simm.s32 $0x0;
	s1 =	stileid.u32;
	s5 =	srdreg.scid  }
0x6: {  	s16 =	simm.s32 $0x80;
	s17 =	simm.s32 $0x2800;
	s18 =	simm.s32 $0x1  }
0x7: {  	s19 =	simm.s32 $0x6800;
	s20 =	simm.s32 $0x2;
	s21 =	simm.s32 $0x1480  }
0x8: {  	s22 =	simm.s32 $0x3;
	s23 =	simm.s32 $0x100;
	s24 =	simm.s32 $0x4  }
0x9: {  	s25 =	simm.s32 $0x0;
	[smem:$0x7FF] =	sst s4;
	s8 =	smul.u32 $0x14000, s1  }
0xa: {  	s10 =	sand.u32 $0x1, s5;
	s5 =	sadd.s32 $0x84600, s7;
	s12 =	smul.u32 $0x50000, s1  }
0xb: {  	s6 =	sadd.s32 $0x1E00, s7;
	s31 =	sshll.u32 s1, $0x6;
	s9 =	smul.u32 $0x140000, s10  }
0xc: {  	_ =	strace $0x8000004A;
	s29 =	ssub.s32 $0x2, s10;
	s10 =	smul.u32 $0x50000, s10  }
0xd: {  	s11 =	sshrl.u32 s8, $0x3;
	s13 =	sshrl.u32 s29, $0x1;
	s30 =	sshrl.u32 s12, $0x2  }
.Ltmp0:
0xe: {  	s8 =	sadd.s32 s8, s9;
	s11 =	sadd.s32 s11, s7;
	(pc) =	sbr.rel .LBB2_1-.Ltmp0, $4  }
0xf: {  	s13 =	ssub.s32 s29, s13;
	s15 =	sadd.s32 s30, s3;
	s9 =	sor.u32 $0x1C05, s31  }
0x10: {  	s8 =	sshrl.u32 s8, $0x3;
	s12 =	smax.u32 s13, $0x1;
	s13 =	sshrl.u32 s15, $0x3  }
0x11: {  	s15 =	simm.s32 $0x1400;
	s14 =	sadd.s32 s8, s7;
	s7 =	smul.u32 $0xA0, s1  }
0x12: {  	s8 =	sadd.s32 $0xC600, s11;
	s11 =	sadd.s32 $0xD4600, s14;
	s14 =	simm.s32 $0x5  }
.LBB2_6:
0x13: {  	s25 =	sadd.s32 $0x1, s25  }
0x14: {  	p0 =	sne.s32 s25, s12  }
.Ltmp1:
0x15: {  	[bflag:$0x0] =	sbarrier.arrive $0xFFFF;
	(pc) =	sbr.rel @!p0 .LBB2_7-.Ltmp1, $4  }
0x16: {  	[hbm:s11], [sflag:s9] =	dma.local [spmem:s13], $0x2800  }
0x17: {  	_ =	swait.ge [sflag:s14], $0x2800  }
0x18: {  	[sflag:s14] =	ssyncset.done $0x0  }
0x19: {  	[sflag:s14] =	ssyncadd.s32 $0xFFFFD800  }
.LBB2_1:
0x1a: {  	[spmem:s13], [sflag:s9] =	dma.local [hbm:s8], $0x2800  }
.Ltmp2:
0x1b: {  	_ =	swait.ge [sflag:s14], $0x2800;
	(pc) =	sbr.rel .LBB2_2-.Ltmp2, $4  }
0x1c: {  	[sflag:s14] =	ssyncset.done $0x0  }
0x1d: {  	[sflag:s14] =	ssyncadd.s32 $0xFFFFD800  }
0x1e: {  	[bflag:$0x0] =	sbarrier.arrive $0xFFFF  }
0x1f: {  	s26 =	simm.s32 $0x0  }
.LBB2_5:
0x20: {  	s26 =	sadd.s32 $0x1, s26  }
0x21: {  	p0 =	sne.s32 s26, $0x4  }
.Ltmp3:
0x22: {  	_ = 	snop;
	(pc) =	sbr.rel @!p0 .LBB2_6-.Ltmp3, $4  }
0x23: {  	_ = 	snop  }
0x24: {  	_ =	swait.ge [sflag:s24], $0x4000  }
0x25: {  	[sflag:s24] =	ssyncset.done $0x0  }
0x26: {  	[sflag:s24] =	ssyncadd.s32 $0xFFFFC000  }
.LBB2_2:
0x27: {  	s28 =	smul.u32 $0x28, s26;
	_ =	sdelay $0x1  }
0x28: {  	s28 =	sadd.s32 s7, s28  }
0x29: {  	s29 =	sshll.u32 s28, $0x7  }
0x2a: {  	s29 =	sadd.s32 s10, s29  }
0x2b: {  	s29 =	sshrl.u32 s29, $0x3  }
0x2c: {  	s29 =	sadd.s32 s2, s29  }
0x2d: {  	[tilespmem:s4], [sflag:$0x5] =	stream.linear.gather [hbm4b:s29+s4], $0x1400, $0x38;
	[tilespmem:$0x1E800] =	vst v63  }
0x2e: {  	_ =	swait.ge [sflag:s14], $0x1400  }
0x2f: {  	s28 =	sshll.u32 s28, $0x4;
	[sflag:s14] =	ssyncset.done $0x0  }
0x30: {  	s28 =	sadd.s32 s6, s28;
	[sflag:s14] =	ssyncadd.s32 $0xFFFFEC00  }
0x31: {  	[tilespmem:s15], [sflag:$0x5] =	stream.linear.gather [hbm4b:s28+s4], $0x1400, $0x38;
	[tilespmem:$0x1E800] =	vst v63  }
0x32: {  	_ =	swait.ge [sflag:s14], $0x1400  }
0x33: {  	[sflag:s14] =	ssyncset.done $0x0  }
0x34: {  	[sflag:s14] =	ssyncadd.s32 $0xFFFFEC00  }
0x35: {  	[tilespmem:s17], [sflag:$0x1] =	stream.indirect.gather [hbm4b:s5+s16], $0x80, s4, s16, $0xb8;
	[tilespmem:$0x1E800] =	vst v63  }
0x36: {  	_ =	swait.ge [sflag:s18], $0x4000  }
0x37: {  	[sflag:s18] =	ssyncset.done $0x0  }
0x38: {  	[sflag:s18] =	ssyncadd.s32 $0xFFFFC000  }
0x39: {  	[spmem:s3] =	stream.indirect.scatter.add.f32 [tilespmem:s17], [sflag:$0x3], $0x80, s15, s16, $0xb8;
	[tilespmem:$0x1E800] =	vst v63  }
0x3a: {  	_ = 	snop  }
0x3b: {  	[tilespmem:s19], [sflag:$0x2] =	stream.indirect.gather [hbm4b:s5+s16], $0x80, s16, s16, $0xb8;
	[tilespmem:$0x1E800] =	vst v63  }
0x3c: {  	_ =	swait.ge [sflag:s20], $0x4000  }
0x3d: {  	[sflag:s20] =	ssyncset.done $0x0  }
0x3e: {  	[sflag:s20] =	ssyncadd.s32 $0xFFFFC000  }
0x3f: {  	[spmem:s3] =	stream.indirect.scatter.add.f32 [tilespmem:s19], [sflag:$0x4], $0x80, s21, s16, $0xb8;
	[tilespmem:$0x1E800] =	vst v63  }
0x40: {  	_ =	swait.ge [sflag:s22], $0x4000  }
0x41: {  	[sflag:s22] =	ssyncset.done $0x0  }
0x42: {  	s28 =	simm.s32 $0xFFFFB800;
	[sflag:s22] =	ssyncadd.s32 $0xFFFFC000  }
0x43: {  	[tilespmem:s17], [sflag:$0x1] =	stream.indirect.gather [hbm4b:s5+s16], $0x80, s23, s16, $0xb8;
	[tilespmem:$0x1E800] =	vst v63  }
.LBB2_3:
0x44: {  	_ =	swait.ge [sflag:s18], $0x4000  }
0x45: {  	s29 =	sshra.s32 s28, $0x2;
	[sflag:s18] =	ssyncset.done $0x0  }
0x46: {  	s30 =	sadd.s32 $0x2700, s29;
	[sflag:s18] =	ssyncadd.s32 $0xFFFFC000  }
0x47: {  	[spmem:s3] =	stream.indirect.scatter.add.f32 [tilespmem:s17], [sflag:$0x3], $0x80, s30, s16, $0xb8;
	[tilespmem:$0x1E800] =	vst v63  }
0x48: {  	_ =	swait.ge [sflag:s24], $0x4000  }
0x49: {  	[sflag:s24] =	ssyncset.done $0x0  }
0x4a: {  	s31 =	sadd.s32 $0x1380, s29;
	[sflag:s24] =	ssyncadd.s32 $0xFFFFC000  }
0x4b: {  	[tilespmem:s19], [sflag:$0x2] =	stream.indirect.gather [hbm4b:s5+s16], $0x80, s31, s16, $0xb8;
	[tilespmem:$0x1E800] =	vst v63  }
0x4c: {  	_ =	swait.ge [sflag:s20], $0x4000  }
0x4d: {  	p0 =	seq.s32 s28, $0x0;
	[sflag:s20] =	ssyncset.done $0x0  }
.Ltmp4:
0x4e: {  	s31 =	sadd.s32 $0x2780, s29;
	[sflag:s20] =	ssyncadd.s32 $0xFFFFC000;
	(pc) =	sbr.rel @p0 .LBB2_5-.Ltmp4, $4  }
0x4f: {  	[spmem:s3] =	stream.indirect.scatter.add.f32 [tilespmem:s19], [sflag:$0x4], $0x80, s31, s16, $0xb8;
	[tilespmem:$0x1E800] =	vst v63  }
0x50: {  	_ =	swait.ge [sflag:s22], $0x4000  }
0x51: {  	[sflag:s22] =	ssyncset.done $0x0  }
0x52: {  	[sflag:s22] =	ssyncadd.s32 $0xFFFFC000  }
.Ltmp5:
0x53: {  	(pc) =	sbr.rel .LBB2_3-.Ltmp5, $3  }
0x54: {  	_ =	sdelay $0x1  }
0x55: {  	s29 =	sadd.s32 $0x1400, s29;
	s28 =	sadd.s32 $0x400, s28  }
0x56: {  	[tilespmem:s17], [sflag:$0x1] =	stream.indirect.gather [hbm4b:s5+s16], $0x80, s29, s16, $0xb8;
	[tilespmem:$0x1E800] =	vst v63  }
.LBB2_7:
0x57: {  	_ =	sfence.sel $0x180000  }
0x58: {  	[bflag:$0x0] =	sbarrier.arrive $0xFFFF  }
0x59: {  	p0 =	sne.s32 s1, $0x0;
	_ =	strace $0x9000004A  }
0x5a: {  	s0 =	sadd.s32 @!p0 $0x100000, s0;
	[bflag:$0x2] =	sbarrier.arrive $0xFFFF  }
0x5b: {  	[sflag:s0] =	ssyncadd.tile.s32 @!p0 $0x1;
	_ =	shalt  }
.Lfunc_end2:
_tile_overlayer_lowered:
.L_overlay_start_2:
0x5c: {  	(tag) =	ssettag $0x2  }
0x5d: {  	s0 =	rddreg [dreg:$0x0];
	s2 =	stileid.u32  }
0x5e: {  	s1 =	rddreg [dreg:$0x1];
	p0 =	sne.s32 s2, $0x0  }
0x5f: {  	s3 =	rddreg [dreg:$0x2];
	[bflag:$0x3] =	sbarrier.arrive $0xFFFF;
	s2 =	simm.s32 @!p0 $0x1C05  }
0x60: {  	[timem:s3], [sflag:s2] =	dma.local @!p0 [hbm:s0], s1  }
0x61: {  	s0 =	simm.s32 @!p0 $0x5  }
0x62: {  	_ =	swait.ge @!p0 [sflag:s0], s1  }
0x63: {  	s1 =	ssub.s32 @!p0 $0x0, s1;
	[sflag:s0] =	ssyncset.done @!p0 $0x0  }
0x64: {  	[sflag:s0] =	ssyncadd.s32 @!p0 s1  }
0x65: {  	[bflag:$0x3] =	sbarrier.arrive $0xFFFF  }
0x66: {  	_ =	shalt  }

// kernel: kernel.15.cloned.1.call-start
scs
__scs_entry_jumppad:
0x0: {  	(pc) =	sbr.rel $0x88, $3  }
0x1: {  	(tag) =	ssettag $0x0;
	lr =	simm.s32 $0x1  }
0x2: {  	[smem:$0x3F9B] =	sst lr;
	_ =	strace $0xD0000000  }
0x3: {  	_ = 	snop  }
0x4: {  	_ = 	snop  }
0x5: {  	_ = 	snop  }
0x6: {  	_ = 	snop  }
0x7: {  	_ = 	snop  }
__scs_overlays_trampoline_lowered:
0x8: {  	[smem:$0x3FAA] =	sst s0  }
0x9: {  	[smem:$0x3FAB] =	sst s1  }
0xa: {  	[smem:$0x3FAC] =	sst s2  }
0xb: {  	[smem:$0x3FAD] =	sst s3  }
0xc: {  	[smem:$0x3FAE] =	sst s4  }
0xd: {  	[smem:$0x3FAF] =	sst s5  }
0xe: {  	[smem:$0x3FB0] =	sst s6  }
0xf: {  	[smem:$0x3FB1] =	sst s7  }
0x10: {  	[smem:$0x3FB2] =	sst s8  }
0x11: {  	[smem:$0x3FB3] =	sst s9;
	s0 =	simm.s32 @!p0 $0x0  }
0x12: {  	s1 =	sld [smem:$0x3F99];
	s0 =	simm.s32 @p0 $0x1  }
0x13: {  	[smem:$0x3FB4] =	sst s0;
	s0 =	simm.s32 @!p1 $0x0  }
0x14: {  	s2 =	sld [smem:$0x3F98];
	s0 =	simm.s32 @p1 $0x1  }
0x15: {  	[smem:$0x3FB5] =	sst s0;
	s0 =	simm.s32 @!p2 $0x0  }
0x16: {  	s3 =	sld [smem:$0x3FDB];
	s0 =	simm.s32 @p2 $0x1  }
0x17: {  	s4 =	simm.s32 $0x1BF5;
	[smem:$0x3FB7] =	sst s0  }
0x18: {  	s0 =	sld [smem:$0x3F9A];
	_ =	swait.ge [sflag:s4], $0x0  }
0x19: {  	s7 =	sld [smem:$0x3F9B]  }
0x1a: {  	s8 =	sadd.s32 $0xFFFFE003, lr  }
0x1b: {  	s9 =	sadd.s32 $0xFFFFFEF7, lr;
	s5 =	simm.s32 $0xFFFFFFFF;
	p2 =	slt.u32 s8, $0xFFFFF086  }
0x1c: {  	p1 =	slt.u32 s9, $0xF7A;
	s5 =	simm.s32 @!p2 $0x0  }
0x1d: {  	s5 =	simm.s32 @p1 $0x1;
	p0 =	seq.s32 s7, s2  }
0x1e: {  	s7 =	smul.u32 @!p0 $0xF7A, s2;
	p2 =	seq.s32 @!p0 s5, $0x0  }
0x1f: {  	s9 =	smul.u32 $0xF7A, s1;
	s8 =	simm.s32 @!p0 $0x1BF5;
	p2 =	por !p2, p0  }
0x20: {  	[sflag:s8] =	ssyncset.s32 @!p0 $0xFFFFF086;
	s6 =	sadd.s32 @!p0 s3, s7;
	s7 =	simm.s32 @!p0 $0x108  }
0x21: {  	s3 =	sadd.s32 s3, s9;
	s6 =	sadd.s32 @!p0 $0x88, s6;
	s7 =	simm.s32 @p2 $0x1082  }
0x22: {  	[simem:s7], [sflag:s8] =	dma.local @!p0 [hbm:s6], $0xF7A  }
0x23: {  	s9 =	sor.u32 $0xD0000000, s2;
	s6 =	simm.s32 $0x108;
	_ =	swait.ge @!p0 [sflag:s8], $0x0  }
0x24: {  	s3 =	sadd.s32 $0x88, s3;
	s6 =	simm.s32 @!p1 $0x1082;
	[sflag:s4] =	ssyncset.s32 $0xFFFFF086  }
0x25: {  	[simem:s6], [sflag:s4] =	dma.local [hbm:s3], $0xF7A  }
0x26: {  	[smem:$0x3F9B] =	sst s1;
	(tag) =	ssettag s2;
	_ =	strace s9  }
0x27: {  	s1 =	sld [smem:$0x3FAB]  }
0x28: {  	s2 =	sld [smem:$0x3FAC]  }
0x29: {  	s4 =	sld [smem:$0x3FAE]  }
0x2a: {  	p0 =	seq.s32 s5, $0x0;
	s5 =	sld [smem:$0x3FAF]  }
0x2b: {  	s6 =	sld [smem:$0x3FB0]  }
0x2c: {  	s7 =	sld [smem:$0x3FB1]  }
0x2d: {  	s3 =	simm.s32 $0x108;
	s8 =	sld [smem:$0x3FB2]  }
0x2e: {  	s3 =	simm.s32 @!p0 $0x1082;
	s9 =	sld [smem:$0x3FB3]  }
0x2f: {  	lr =	sadd.s32 s0, s3;
	s0 =	sld [smem:$0x3FAA]  }
0x30: {  	s3 =	sld [smem:$0x3FAD]  }
0x31: {  	[smem:$0x3FB6] =	sst s10  }
0x32: {  	s10 =	sld [smem:$0x3FB4];
	_ =	sdelay $0x3  }
0x33: {  	p0 =	seq.s32 s10, $0x1;
	s10 =	sld [smem:$0x3FB6];
	_ =	sdelay $0x3  }
0x34: {  	[smem:$0x3FB6] =	sst s10  }
0x35: {  	s10 =	sld [smem:$0x3FB5];
	_ =	sdelay $0x3  }
0x36: {  	p1 =	seq.s32 s10, $0x1;
	s10 =	sld [smem:$0x3FB6];
	_ =	sdelay $0x3  }
0x37: {  	[smem:$0x3FB6] =	sst s10  }
0x38: {  	s10 =	sld [smem:$0x3FB7]  }
0x39: {  	_ = 	snop;
	(pc) =	sbr.ind lr, $3  }
0x3a: {  	_ = 	snop  }
0x3b: {  	_ = 	snop  }
0x3c: {  	p2 =	seq.s32 s10, $0x1;
	s10 =	sld [smem:$0x3FB6]  }
0x3d: {  	_ =	shalt  }
0x3e: {  	_ =	shalt  }
0x3f: {  	_ =	shalt  }
0x40: {  	_ =	shalt  }
0x41: {  	_ =	shalt  }
0x42: {  	_ =	shalt  }
0x43: {  	_ =	shalt  }
0x44: {  	_ =	shalt  }
0x45: {  	_ =	shalt  }
0x46: {  	_ =	shalt  }
0x47: {  	_ =	shalt  }
0x48: {  	_ =	shalt  }
0x49: {  	_ =	shalt  }
0x4a: {  	_ =	shalt  }
0x4b: {  	_ =	shalt  }
0x4c: {  	_ =	shalt  }
0x4d: {  	_ =	shalt  }
0x4e: {  	_ =	shalt  }
0x4f: {  	_ =	shalt  }
0x50: {  	_ =	shalt  }
0x51: {  	_ =	shalt  }
0x52: {  	_ =	shalt  }
0x53: {  	_ =	shalt  }
0x54: {  	_ =	shalt  }
0x55: {  	_ =	shalt  }
0x56: {  	_ =	shalt  }
0x57: {  	_ =	shalt  }
0x58: {  	_ =	shalt  }
0x59: {  	_ =	shalt  }
0x5a: {  	_ =	shalt  }
0x5b: {  	_ =	shalt  }
0x5c: {  	_ =	shalt  }
0x5d: {  	_ =	shalt  }
0x5e: {  	_ =	shalt  }
0x5f: {  	_ =	shalt  }
0x60: {  	_ =	shalt  }
0x61: {  	_ =	shalt  }
0x62: {  	_ =	shalt  }
0x63: {  	_ =	shalt  }
0x64: {  	_ =	shalt  }
0x65: {  	_ =	shalt  }
0x66: {  	_ =	shalt  }
0x67: {  	_ =	shalt  }
0x68: {  	_ =	shalt  }
0x69: {  	_ =	shalt  }
0x6a: {  	_ =	shalt  }
0x6b: {  	_ =	shalt  }
0x6c: {  	_ =	shalt  }
0x6d: {  	_ =	shalt  }
0x6e: {  	_ =	shalt  }
0x6f: {  	_ =	shalt  }
0x70: {  	_ =	shalt  }
0x71: {  	_ =	shalt  }
0x72: {  	_ =	shalt  }
0x73: {  	_ =	shalt  }
0x74: {  	_ =	shalt  }
0x75: {  	_ =	shalt  }
0x76: {  	_ =	shalt  }
0x77: {  	_ =	shalt  }
0x78: {  	_ =	shalt  }
0x79: {  	_ =	shalt  }
0x7a: {  	_ =	shalt  }
0x7b: {  	_ =	shalt  }
0x7c: {  	_ =	shalt  }
0x7d: {  	_ =	shalt  }
0x7e: {  	_ =	shalt  }
0x7f: {  	_ =	shalt  }
0x80: {  	_ =	shalt  }
0x81: {  	_ =	shalt  }
0x82: {  	_ =	shalt  }
0x83: {  	_ =	shalt  }
0x84: {  	_ =	shalt  }
0x85: {  	_ =	shalt  }
0x86: {  	_ =	shalt  }
0x87: {  	_ =	shalt  }
.Lfunc_end0:
.L_simem_size_0:
called_computation.2_lowered:
.L_overlay_start_0:
0x88: {  	s2 =	sld [smem:$0x3FD9]  }
0x89: {  	s3 =	sld [smem:$0x3FFE];
	_ =	sdelay $0x1  }
0x8a: {  	s1 =	srdreg.scid  }
0x8b: {  	s0 =	sand.u32 $0x1, s1  }
0x8c: {  	s17 =	sshll.u32 s0, $0xA;
	s2 =	sadd.s32 s3, s2  }
0x8d: {  	s2 =	sadd.s32 s2, s17  }
0x8e: {  	[smem:$0x3FC2] =	sst s2  }
0x8f: {  	_ = 	snop  }
0x90: {  	s2 =	sld [smem:$0x3FD0];
	(tm) =	ssettm $0x1  }
0x91: {  	s18 =	sld [smem:$0x3FFB];
	_ =	sdelay $0x3  }
0x92: {  	_ =	strace s18  }
0x93: {  	s3 =	sld [smem:$0x3FFC];
	_ =	sdelay $0x3  }
0x94: {  	_ =	strace s3  }
0x95: {  	s3 =	sld [smem:$0x3FFD];
	_ =	sdelay $0x3  }
0x96: {  	_ =	strace s3  }
0x97: {  	_ =	strace $0x8FFFFFFF  }
0x98: {  	s19 =	sld [smem:$0x3FDB];
	_ =	sdelay $0x1  }
0x99: {  	s4 =	simm.s32 $_scs_section_size  }
0x9a: {  	s5 =	simm.s32 $_size__tile_overlayer_lowered;
	s6 =	simm.s32 $_tile_overlayer_lowered  }
0x9b: {  	s22 =	simm.s32 $0x1BFF;
	s21 =	sshll.u32 s6, $0x1;
	s3 =	sadd.s32 s4, s19  }
0x9c: {  	s7 =	simm.s32 $0x0;
	s20 =	sshll.u32 s5, $0x1;
	s5 =	sadd.s32 s21, s3  }
0x9d: {  	[timem:s7], [sflag:s22] =	dma.local [hbm:s5], s20  }
0x9e: {  	_ =	swait.ge [sflag:s22], s20  }
0x9f: {  	s4 =	ssub.s32 $0x0, s20;
	[sflag:s22] =	ssyncset.done $0x0  }
0xa0: {  	[sflag:s22] =	ssyncadd.s32 s4;
	_ =	sdelay $0x1  }
0xa1: {  	s23 =	simm.s32 $0x1B8B  }
0xa2: {  	_ =	swait.ge [sflag:s23], $0x1  }
0xa3: {  	[sflag:s23] =	ssyncset.done $0x0  }
0xa4: {  	s25 =	simm.s32 $0x1B8E;
	s24 =	sld [smem:$0x3FFE];
	[sflag:s23] =	ssyncadd.s32 $0xFFFFFFFF  }
0xa5: {  	s26 =	simm.s32 $execute0_lowered;
	[smem:$0x3FD2] =	sst s25  }
0xa6: {  	s5 =	sshll.u32 s26, $0x1;
	_ =	strace $0x8000004C;
	[dreg:$0x1] =	wrdreg $0xFFFFFFFF  }
0xa7: {  	s28 =	simm.s32 $_size_execute0_lowered;
	s3 =	sadd.s32 s3, s5;
	[dreg:$0x0] =	wrdreg $0x0  }
0xa8: {  	s5 =	sshll.u32 s28, $0x1;
	[dreg:$0x2] =	wrdreg s3  }
0xa9: {  	[dreg:$0x3] =	wrdreg s5  }
0xaa: {  	[dreg:$0x4] =	wrdreg $0xC0  }
0xab: {  	_ =	task [dreg:s7], $0x5FFFF  }
0xac: {  	[dreg:$0x1] =	wrdreg $0xFFFFFFFF  }
0xad: {  	[dreg:$0x0] =	wrdreg $0x60  }
0xae: {  	[dreg:$0x2] =	wrdreg s24  }
0xaf: {  	[dreg:$0x3] =	wrdreg s2  }
0xb0: {  	[dreg:$0x4] =	wrdreg $0xA8000  }
0xb1: {  	[dreg:$0x5] =	wrdreg $0x9  }
0xb2: {  	_ =	task.clear_ibuf [dreg:s7], $0x6FFFF;
	_ =	strace $0x9000004C  }
0xb3: {  	s29 =	simm.s32 $0x9;
	_ =	strace $0x8000004E  }
0xb4: {  	_ =	swait.ge [sflag:s29], $0x1  }
0xb5: {  	[sflag:s29] =	ssyncadd.s32 $0xFFFFFFFF  }
0xb6: {  	_ =	strace $0x9000004E  }
0xb7: {  	_ =	sfence  }
0xb8: {  	s30 =	sld [smem:$0x0];
	_ =	sdelay $0x2  }
0xb9: {  	s31 =	sshll.u32 s1, $0xD;
	s1 =	sshrl.u32 s1, $0x2  }
0xba: {  	s3 =	sand.u32 $0x4000, s31;
	s1 =	sadd.s32 s1, s30  }
0xbb: {  	s0 =	sor.u32 s3, s0;
	s1 =	sshll.u32 s1, $0x11  }
0xbc: {  	s0 =	sor.u32 s1, s0  }
0xbd: {  	s0 =	sadd.s32 $0x8F2B, s0  }
0xbe: {  	[sflag:s0] =	ssyncadd.remote.s32 $0x1  }
0xbf: {  	_ =	sfence.sel $0xFFFF  }
0xc0: {  	[dreg:$0x0] =	wrdreg $0xFFFFFFFF;
	(pc) =	sbr.abs _section_cstart, $3  }
0xc1: {  	[dreg:$0x1] =	wrdreg $0xFFFFFFFF  }
0xc2: {  	_ =	task.clear_ibuf [dreg:s7], $0x2FFFF;
	_ =	strace $0x9FFFFFFF  }
0xc3: {  	(tm) =	ssettm $0x7FFFFFFF  }
tec
execute0_lowered:
.L_overlay_start_1:
0x0: {  	(tag) =	ssettag $0x1  }
0x1: {  	s5 =	rddreg [dreg:$0x0]  }
0x2: {  	s11 =	rddreg [dreg:$0x1]  }
0x3: {  	s2 =	rddreg [dreg:$0x2]  }
0x4: {  	s0 =	rddreg [dreg:$0x3]  }
0x5: {  	s1 =	stileid.u32;
	s4 =	srdreg.scid;
	s3 =	simm.s32 $0x0  }
0x6: {  	s15 =	simm.s32 $0x1400;
	s16 =	simm.s32 $0x80;
	s17 =	simm.s32 $0x2800  }
0x7: {  	s18 =	simm.s32 $0x1;
	s19 =	simm.s32 $0x6800;
	s20 =	simm.s32 $0x2  }
0x8: {  	s21 =	simm.s32 $0x1480;
	s22 =	simm.s32 $0x3;
	s23 =	simm.s32 $0x100  }
0x9: {  	s24 =	simm.s32 $0x4;
	s25 =	simm.s32 $0x0;
	s6 =	smul.u32 $0x14000, s1  }
0xa: {  	s7 =	sand.u32 $0x1, s4;
	[smem:$0x7FF] =	sst s3;
	s4 =	sadd.s32 $0x84600, s5  }
0xb: {  	s12 =	sadd.s32 $0x1E00, s5;
	s9 =	smul.u32 $0x50000, s1;
	s31 =	sshll.u32 s1, $0x6  }
0xc: {  	s8 =	smul.u32 $0x140000, s7;
	_ =	strace $0x8000004D;
	s30 =	ssub.s32 $0x2, s7  }
0xd: {  	s7 =	sshll.u32 s7, $0x4;
	s10 =	sshrl.u32 s30, $0x1;
	s9 =	sshrl.u32 s9, $0x2  }
0xe: {  	s7 =	sor.u32 s1, s7;
	s8 =	sadd.s32 s6, s8;
	s6 =	sshrl.u32 s6, $0x3  }
0xf: {  	s10 =	ssub.s32 s30, s10;
	s13 =	sadd.s32 s9, s2;
	s14 =	smul.u32 $0x500, s7  }
.Ltmp0:
0x10: {  	s8 =	sshrl.u32 s8, $0x3;
	s6 =	sadd.s32 s6, s5;
	(pc) =	sbr.rel .LBB2_1-.Ltmp0, $4  }
0x11: {  	s13 =	sshrl.u32 s13, $0x3;
	s8 =	sadd.s32 s8, s5;
	s5 =	sadd.s32 $0xC600, s6  }
0x12: {  	s6 =	sor.u32 $0x1C05, s31;
	s9 =	sadd.s32 s11, s14;
	s7 =	sadd.s32 $0xAC600, s8  }
0x13: {  	s8 =	smax.u32 s10, $0x1;
	s10 =	sadd.s32 s12, s14;
	s14 =	sadd.s32 $0x280, s14  }
0x14: {  	s11 =	sadd.s32 s11, s14;
	s12 =	sadd.s32 s12, s14;
	s14 =	simm.s32 $0x5  }
.LBB2_7:
0x15: {  	_ =	swait.ge [sflag:s24], $0x4000  }
0x16: {  	s25 =	sadd.s32 $0x1, s25;
	[sflag:s24] =	ssyncset.done $0x0  }
0x17: {  	p0 =	sne.s32 s25, s8;
	[sflag:s24] =	ssyncadd.s32 $0xFFFFC000  }
.Ltmp1:
0x18: {  	[bflag:$0x0] =	sbarrier.arrive $0xFFFF;
	(pc) =	sbr.rel @!p0 .LBB2_8-.Ltmp1, $4  }
0x19: {  	[hbm:s7], [sflag:s6] =	dma.local [spmem:s13], $0x2800  }
0x1a: {  	_ =	swait.ge [sflag:s14], $0x2800  }
0x1b: {  	[sflag:s14] =	ssyncset.done $0x0  }
0x1c: {  	[sflag:s14] =	ssyncadd.s32 $0xFFFFD800  }
.LBB2_1:
0x1d: {  	[spmem:s13], [sflag:s6] =	dma.local [hbm:s5], $0x2800  }
0x1e: {  	_ =	swait.ge [sflag:s14], $0x2800  }
0x1f: {  	[sflag:s14] =	ssyncset.done $0x0  }
0x20: {  	[sflag:s14] =	ssyncadd.s32 $0xFFFFD800  }
0x21: {  	[bflag:$0x0] =	sbarrier.arrive $0xFFFF  }
0x22: {  	[tilespmem:s3], [sflag:$0x5] =	stream.linear.gather [hbm4b:s9+s3], $0x1400, $0x38;
	[tilespmem:$0x1E800] =	vst v63  }
0x23: {  	_ =	swait.ge [sflag:s14], $0x1400  }
0x24: {  	[sflag:s14] =	ssyncset.done $0x0  }
0x25: {  	[sflag:s14] =	ssyncadd.s32 $0xFFFFEC00  }
0x26: {  	[tilespmem:s15], [sflag:$0x5] =	stream.linear.gather [hbm4b:s10+s3], $0x1400, $0x38;
	[tilespmem:$0x1E800] =	vst v63  }
0x27: {  	_ =	swait.ge [sflag:s14], $0x1400  }
0x28: {  	[sflag:s14] =	ssyncset.done $0x0  }
0x29: {  	[sflag:s14] =	ssyncadd.s32 $0xFFFFEC00  }
0x2a: {  	[tilespmem:s17], [sflag:$0x1] =	stream.indirect.gather [hbm4b:s4+s16], $0x80, s3, s16, $0xb8;
	[tilespmem:$0x1E800] =	vst v63  }
0x2b: {  	_ =	swait.ge [sflag:s18], $0x4000  }
0x2c: {  	[sflag:s18] =	ssyncset.done $0x0  }
0x2d: {  	[sflag:s18] =	ssyncadd.s32 $0xFFFFC000  }
0x2e: {  	[spmem:s2] =	stream.indirect.scatter.add.f32 [tilespmem:s17], [sflag:$0x3], $0x80, s15, s16, $0xb8;
	[tilespmem:$0x1E800] =	vst v63  }
0x2f: {  	_ = 	snop  }
0x30: {  	[tilespmem:s19], [sflag:$0x2] =	stream.indirect.gather [hbm4b:s4+s16], $0x80, s16, s16, $0xb8;
	[tilespmem:$0x1E800] =	vst v63  }
0x31: {  	_ =	swait.ge [sflag:s20], $0x4000  }
0x32: {  	[sflag:s20] =	ssyncset.done $0x0  }
0x33: {  	[sflag:s20] =	ssyncadd.s32 $0xFFFFC000  }
0x34: {  	[spmem:s2] =	stream.indirect.scatter.add.f32 [tilespmem:s19], [sflag:$0x4], $0x80, s21, s16, $0xb8;
	[tilespmem:$0x1E800] =	vst v63  }
0x35: {  	_ =	swait.ge [sflag:s22], $0x4000  }
0x36: {  	[sflag:s22] =	ssyncset.done $0x0  }
0x37: {  	s26 =	simm.s32 $0xFFFFB800;
	[sflag:s22] =	ssyncadd.s32 $0xFFFFC000  }
0x38: {  	[tilespmem:s17], [sflag:$0x1] =	stream.indirect.gather [hbm4b:s4+s16], $0x80, s23, s16, $0xb8;
	[tilespmem:$0x1E800] =	vst v63  }
.LBB2_2:
0x39: {  	_ =	swait.ge [sflag:s18], $0x4000  }
0x3a: {  	s28 =	sshra.s32 s26, $0x2;
	[sflag:s18] =	ssyncset.done $0x0  }
0x3b: {  	s29 =	sadd.s32 $0x2700, s28;
	[sflag:s18] =	ssyncadd.s32 $0xFFFFC000  }
0x3c: {  	[spmem:s2] =	stream.indirect.scatter.add.f32 [tilespmem:s17], [sflag:$0x3], $0x80, s29, s16, $0xb8;
	[tilespmem:$0x1E800] =	vst v63  }
0x3d: {  	_ =	swait.ge [sflag:s24], $0x4000  }
0x3e: {  	[sflag:s24] =	ssyncset.done $0x0  }
0x3f: {  	s30 =	sadd.s32 $0x1380, s28;
	[sflag:s24] =	ssyncadd.s32 $0xFFFFC000  }
0x40: {  	[tilespmem:s19], [sflag:$0x2] =	stream.indirect.gather [hbm4b:s4+s16], $0x80, s30, s16, $0xb8;
	[tilespmem:$0x1E800] =	vst v63  }
0x41: {  	_ =	swait.ge [sflag:s20], $0x4000  }
0x42: {  	p0 =	seq.s32 s26, $0x0;
	[sflag:s20] =	ssyncset.done $0x0  }
.Ltmp2:
0x43: {  	s31 =	sadd.s32 $0x2780, s28;
	[sflag:s20] =	ssyncadd.s32 $0xFFFFC000;
	(pc) =	sbr.rel @p0 .LBB2_4-.Ltmp2, $4  }
0x44: {  	[spmem:s2] =	stream.indirect.scatter.add.f32 [tilespmem:s19], [sflag:$0x4], $0x80, s31, s16, $0xb8;
	[tilespmem:$0x1E800] =	vst v63  }
0x45: {  	_ =	swait.ge [sflag:s22], $0x4000  }
0x46: {  	[sflag:s22] =	ssyncset.done $0x0  }
0x47: {  	[sflag:s22] =	ssyncadd.s32 $0xFFFFC000  }
.Ltmp3:
0x48: {  	(pc) =	sbr.rel .LBB2_2-.Ltmp3, $3  }
0x49: {  	_ =	sdelay $0x1  }
0x4a: {  	s28 =	sadd.s32 $0x1400, s28;
	s26 =	sadd.s32 $0x400, s26  }
0x4b: {  	[tilespmem:s17], [sflag:$0x1] =	stream.indirect.gather [hbm4b:s4+s16], $0x80, s28, s16, $0xb8;
	[tilespmem:$0x1E800] =	vst v63  }
.LBB2_4:
0x4c: {  	_ =	swait.ge [sflag:s24], $0x4000  }
0x4d: {  	[sflag:s24] =	ssyncset.done $0x0  }
0x4e: {  	[sflag:s24] =	ssyncadd.s32 $0xFFFFC000  }
0x4f: {  	[tilespmem:s3], [sflag:$0x5] =	stream.linear.gather [hbm4b:s11+s3], $0x1400, $0x38;
	[tilespmem:$0x1E800] =	vst v63  }
0x50: {  	_ =	swait.ge [sflag:s14], $0x1400  }
0x51: {  	[sflag:s14] =	ssyncset.done $0x0  }
0x52: {  	[sflag:s14] =	ssyncadd.s32 $0xFFFFEC00  }
0x53: {  	[tilespmem:s15], [sflag:$0x5] =	stream.linear.gather [hbm4b:s12+s3], $0x1400, $0x38;
	[tilespmem:$0x1E800] =	vst v63  }
0x54: {  	_ =	swait.ge [sflag:s14], $0x1400  }
0x55: {  	[sflag:s14] =	ssyncset.done $0x0  }
0x56: {  	[sflag:s14] =	ssyncadd.s32 $0xFFFFEC00  }
0x57: {  	[tilespmem:s17], [sflag:$0x1] =	stream.indirect.gather [hbm4b:s4+s16], $0x80, s3, s16, $0xb8;
	[tilespmem:$0x1E800] =	vst v63  }
0x58: {  	_ =	swait.ge [sflag:s18], $0x4000  }
0x59: {  	[sflag:s18] =	ssyncset.done $0x0  }
0x5a: {  	[sflag:s18] =	ssyncadd.s32 $0xFFFFC000  }
0x5b: {  	[spmem:s2] =	stream.indirect.scatter.add.f32 [tilespmem:s17], [sflag:$0x3], $0x80, s15, s16, $0xb8;
	[tilespmem:$0x1E800] =	vst v63  }
0x5c: {  	_ = 	snop  }
0x5d: {  	[tilespmem:s19], [sflag:$0x2] =	stream.indirect.gather [hbm4b:s4+s16], $0x80, s16, s16, $0xb8;
	[tilespmem:$0x1E800] =	vst v63  }
0x5e: {  	_ =	swait.ge [sflag:s20], $0x4000  }
0x5f: {  	[sflag:s20] =	ssyncset.done $0x0  }
0x60: {  	[sflag:s20] =	ssyncadd.s32 $0xFFFFC000  }
0x61: {  	[spmem:s2] =	stream.indirect.scatter.add.f32 [tilespmem:s19], [sflag:$0x4], $0x80, s21, s16, $0xb8;
	[tilespmem:$0x1E800] =	vst v63  }
0x62: {  	_ =	swait.ge [sflag:s22], $0x4000  }
0x63: {  	[sflag:s22] =	ssyncset.done $0x0  }
0x64: {  	s26 =	simm.s32 $0xFFFFB800;
	[sflag:s22] =	ssyncadd.s32 $0xFFFFC000  }
0x65: {  	[tilespmem:s17], [sflag:$0x1] =	stream.indirect.gather [hbm4b:s4+s16], $0x80, s23, s16, $0xb8;
	[tilespmem:$0x1E800] =	vst v63  }
.LBB2_5:
0x66: {  	_ =	swait.ge [sflag:s18], $0x4000  }
0x67: {  	s28 =	sshra.s32 s26, $0x2;
	[sflag:s18] =	ssyncset.done $0x0  }
0x68: {  	s29 =	sadd.s32 $0x2700, s28;
	[sflag:s18] =	ssyncadd.s32 $0xFFFFC000  }
0x69: {  	[spmem:s2] =	stream.indirect.scatter.add.f32 [tilespmem:s17], [sflag:$0x3], $0x80, s29, s16, $0xb8;
	[tilespmem:$0x1E800] =	vst v63  }
0x6a: {  	_ =	swait.ge [sflag:s24], $0x4000  }
0x6b: {  	[sflag:s24] =	ssyncset.done $0x0  }
0x6c: {  	s30 =	sadd.s32 $0x1380, s28;
	[sflag:s24] =	ssyncadd.s32 $0xFFFFC000  }
0x6d: {  	[tilespmem:s19], [sflag:$0x2] =	stream.indirect.gather [hbm4b:s4+s16], $0x80, s30, s16, $0xb8;
	[tilespmem:$0x1E800] =	vst v63  }
0x6e: {  	_ =	swait.ge [sflag:s20], $0x4000  }
0x6f: {  	p0 =	seq.s32 s26, $0x0;
	[sflag:s20] =	ssyncset.done $0x0  }
.Ltmp4:
0x70: {  	s31 =	sadd.s32 $0x2780, s28;
	[sflag:s20] =	ssyncadd.s32 $0xFFFFC000;
	(pc) =	sbr.rel @p0 .LBB2_7-.Ltmp4, $4  }
0x71: {  	[spmem:s2] =	stream.indirect.scatter.add.f32 [tilespmem:s19], [sflag:$0x4], $0x80, s31, s16, $0xb8;
	[tilespmem:$0x1E800] =	vst v63  }
0x72: {  	_ =	swait.ge [sflag:s22], $0x4000  }
0x73: {  	[sflag:s22] =	ssyncset.done $0x0  }
0x74: {  	[sflag:s22] =	ssyncadd.s32 $0xFFFFC000  }
.Ltmp5:
0x75: {  	(pc) =	sbr.rel .LBB2_5-.Ltmp5, $3  }
0x76: {  	_ =	sdelay $0x1  }
0x77: {  	s28 =	sadd.s32 $0x1400, s28;
	s26 =	sadd.s32 $0x400, s26  }
0x78: {  	[tilespmem:s17], [sflag:$0x1] =	stream.indirect.gather [hbm4b:s4+s16], $0x80, s28, s16, $0xb8;
	[tilespmem:$0x1E800] =	vst v63  }
.LBB2_8:
0x79: {  	_ =	sfence.sel $0x180000  }
0x7a: {  	[bflag:$0x0] =	sbarrier.arrive $0xFFFF  }
0x7b: {  	p0 =	sne.s32 s1, $0x0;
	_ =	strace $0x9000004D  }
0x7c: {  	s0 =	sadd.s32 @!p0 $0x100000, s0;
	[bflag:$0x2] =	sbarrier.arrive $0xFFFF  }
0x7d: {  	[sflag:s0] =	ssyncadd.tile.s32 @!p0 $0x1;
	_ =	shalt  }
.Lfunc_end2:
_tile_overlayer_lowered:
.L_overlay_start_2:
0x7e: {  	(tag) =	ssettag $0x2  }
0x7f: {  	s0 =	rddreg [dreg:$0x0];
	s2 =	stileid.u32  }
0x80: {  	s1 =	rddreg [dreg:$0x1];
	p0 =	sne.s32 s2, $0x0  }
0x81: {  	s3 =	rddreg [dreg:$0x2];
	[bflag:$0x3] =	sbarrier.arrive $0xFFFF;
	s2 =	simm.s32 @!p0 $0x1C05  }
0x82: {  	[timem:s3], [sflag:s2] =	dma.local @!p0 [hbm:s0], s1  }
0x83: {  	s0 =	simm.s32 @!p0 $0x5  }
0x84: {  	_ =	swait.ge @!p0 [sflag:s0], s1  }
0x85: {  	s1 =	ssub.s32 @!p0 $0x0, s1;
	[sflag:s0] =	ssyncset.done @!p0 $0x0  }
0x86: {  	[sflag:s0] =	ssyncadd.s32 @!p0 s1  }
0x87: {  	[bflag:$0x3] =	sbarrier.arrive $0xFFFF  }
0x88: {  	_ =	shalt  }

// kernel: kernel.9.cloned.1.call-start
scs
__scs_entry_jumppad:
0x0: {  	(pc) =	sbr.rel $0x88, $3  }
0x1: {  	(tag) =	ssettag $0x0;
	lr =	simm.s32 $0x1  }
0x2: {  	[smem:$0x3F9B] =	sst lr;
	_ =	strace $0xD0000000  }
0x3: {  	_ = 	snop  }
0x4: {  	_ = 	snop  }
0x5: {  	_ = 	snop  }
0x6: {  	_ = 	snop  }
0x7: {  	_ = 	snop  }
__scs_overlays_trampoline_lowered:
0x8: {  	[smem:$0x3FAA] =	sst s0  }
0x9: {  	[smem:$0x3FAB] =	sst s1  }
0xa: {  	[smem:$0x3FAC] =	sst s2  }
0xb: {  	[smem:$0x3FAD] =	sst s3  }
0xc: {  	[smem:$0x3FAE] =	sst s4  }
0xd: {  	[smem:$0x3FAF] =	sst s5  }
0xe: {  	[smem:$0x3FB0] =	sst s6  }
0xf: {  	[smem:$0x3FB1] =	sst s7  }
0x10: {  	[smem:$0x3FB2] =	sst s8  }
0x11: {  	[smem:$0x3FB3] =	sst s9;
	s0 =	simm.s32 @!p0 $0x0  }
0x12: {  	s1 =	sld [smem:$0x3F99];
	s0 =	simm.s32 @p0 $0x1  }
0x13: {  	[smem:$0x3FB4] =	sst s0;
	s0 =	simm.s32 @!p1 $0x0  }
0x14: {  	s2 =	sld [smem:$0x3F98];
	s0 =	simm.s32 @p1 $0x1  }
0x15: {  	[smem:$0x3FB5] =	sst s0;
	s0 =	simm.s32 @!p2 $0x0  }
0x16: {  	s3 =	sld [smem:$0x3FDB];
	s0 =	simm.s32 @p2 $0x1  }
0x17: {  	s4 =	simm.s32 $0x1BF5;
	[smem:$0x3FB7] =	sst s0  }
0x18: {  	s0 =	sld [smem:$0x3F9A];
	_ =	swait.ge [sflag:s4], $0x0  }
0x19: {  	s7 =	sld [smem:$0x3F9B]  }
0x1a: {  	s8 =	sadd.s32 $0xFFFFE003, lr  }
0x1b: {  	s9 =	sadd.s32 $0xFFFFFEF7, lr;
	s5 =	simm.s32 $0xFFFFFFFF;
	p2 =	slt.u32 s8, $0xFFFFF086  }
0x1c: {  	p1 =	slt.u32 s9, $0xF7A;
	s5 =	simm.s32 @!p2 $0x0  }
0x1d: {  	s5 =	simm.s32 @p1 $0x1;
	p0 =	seq.s32 s7, s2  }
0x1e: {  	s7 =	smul.u32 @!p0 $0xF7A, s2;
	p2 =	seq.s32 @!p0 s5, $0x0  }
0x1f: {  	s9 =	smul.u32 $0xF7A, s1;
	s8 =	simm.s32 @!p0 $0x1BF5;
	p2 =	por !p2, p0  }
0x20: {  	[sflag:s8] =	ssyncset.s32 @!p0 $0xFFFFF086;
	s6 =	sadd.s32 @!p0 s3, s7;
	s7 =	simm.s32 @!p0 $0x108  }
0x21: {  	s3 =	sadd.s32 s3, s9;
	s6 =	sadd.s32 @!p0 $0x88, s6;
	s7 =	simm.s32 @p2 $0x1082  }
0x22: {  	[simem:s7], [sflag:s8] =	dma.local @!p0 [hbm:s6], $0xF7A  }
0x23: {  	s9 =	sor.u32 $0xD0000000, s2;
	s6 =	simm.s32 $0x108;
	_ =	swait.ge @!p0 [sflag:s8], $0x0  }
0x24: {  	s3 =	sadd.s32 $0x88, s3;
	s6 =	simm.s32 @!p1 $0x1082;
	[sflag:s4] =	ssyncset.s32 $0xFFFFF086  }
0x25: {  	[simem:s6], [sflag:s4] =	dma.local [hbm:s3], $0xF7A  }
0x26: {  	[smem:$0x3F9B] =	sst s1;
	(tag) =	ssettag s2;
	_ =	strace s9  }
0x27: {  	s1 =	sld [smem:$0x3FAB]  }
0x28: {  	s2 =	sld [smem:$0x3FAC]  }
0x29: {  	s4 =	sld [smem:$0x3FAE]  }
0x2a: {  	p0 =	seq.s32 s5, $0x0;
	s5 =	sld [smem:$0x3FAF]  }
0x2b: {  	s6 =	sld [smem:$0x3FB0]  }
0x2c: {  	s7 =	sld [smem:$0x3FB1]  }
0x2d: {  	s3 =	simm.s32 $0x108;
	s8 =	sld [smem:$0x3FB2]  }
0x2e: {  	s3 =	simm.s32 @!p0 $0x1082;
	s9 =	sld [smem:$0x3FB3]  }
0x2f: {  	lr =	sadd.s32 s0, s3;
	s0 =	sld [smem:$0x3FAA]  }
0x30: {  	s3 =	sld [smem:$0x3FAD]  }
0x31: {  	[smem:$0x3FB6] =	sst s10  }
0x32: {  	s10 =	sld [smem:$0x3FB4];
	_ =	sdelay $0x3  }
0x33: {  	p0 =	seq.s32 s10, $0x1;
	s10 =	sld [smem:$0x3FB6];
	_ =	sdelay $0x3  }
0x34: {  	[smem:$0x3FB6] =	sst s10  }
0x35: {  	s10 =	sld [smem:$0x3FB5];
	_ =	sdelay $0x3  }
0x36: {  	p1 =	seq.s32 s10, $0x1;
	s10 =	sld [smem:$0x3FB6];
	_ =	sdelay $0x3  }
0x37: {  	[smem:$0x3FB6] =	sst s10  }
0x38: {  	s10 =	sld [smem:$0x3FB7]  }
0x39: {  	_ = 	snop;
	(pc) =	sbr.ind lr, $3  }
0x3a: {  	_ = 	snop  }
0x3b: {  	_ = 	snop  }
0x3c: {  	p2 =	seq.s32 s10, $0x1;
	s10 =	sld [smem:$0x3FB6]  }
0x3d: {  	_ =	shalt  }
0x3e: {  	_ =	shalt  }
0x3f: {  	_ =	shalt  }
0x40: {  	_ =	shalt  }
0x41: {  	_ =	shalt  }
0x42: {  	_ =	shalt  }
0x43: {  	_ =	shalt  }
0x44: {  	_ =	shalt  }
0x45: {  	_ =	shalt  }
0x46: {  	_ =	shalt  }
0x47: {  	_ =	shalt  }
0x48: {  	_ =	shalt  }
0x49: {  	_ =	shalt  }
0x4a: {  	_ =	shalt  }
0x4b: {  	_ =	shalt  }
0x4c: {  	_ =	shalt  }
0x4d: {  	_ =	shalt  }
0x4e: {  	_ =	shalt  }
0x4f: {  	_ =	shalt  }
0x50: {  	_ =	shalt  }
0x51: {  	_ =	shalt  }
0x52: {  	_ =	shalt  }
0x53: {  	_ =	shalt  }
0x54: {  	_ =	shalt  }
0x55: {  	_ =	shalt  }
0x56: {  	_ =	shalt  }
0x57: {  	_ =	shalt  }
0x58: {  	_ =	shalt  }
0x59: {  	_ =	shalt  }
0x5a: {  	_ =	shalt  }
0x5b: {  	_ =	shalt  }
0x5c: {  	_ =	shalt  }
0x5d: {  	_ =	shalt  }
0x5e: {  	_ =	shalt  }
0x5f: {  	_ =	shalt  }
0x60: {  	_ =	shalt  }
0x61: {  	_ =	shalt  }
0x62: {  	_ =	shalt  }
0x63: {  	_ =	shalt  }
0x64: {  	_ =	shalt  }
0x65: {  	_ =	shalt  }
0x66: {  	_ =	shalt  }
0x67: {  	_ =	shalt  }
0x68: {  	_ =	shalt  }
0x69: {  	_ =	shalt  }
0x6a: {  	_ =	shalt  }
0x6b: {  	_ =	shalt  }
0x6c: {  	_ =	shalt  }
0x6d: {  	_ =	shalt  }
0x6e: {  	_ =	shalt  }
0x6f: {  	_ =	shalt  }
0x70: {  	_ =	shalt  }
0x71: {  	_ =	shalt  }
0x72: {  	_ =	shalt  }
0x73: {  	_ =	shalt  }
0x74: {  	_ =	shalt  }
0x75: {  	_ =	shalt  }
0x76: {  	_ =	shalt  }
0x77: {  	_ =	shalt  }
0x78: {  	_ =	shalt  }
0x79: {  	_ =	shalt  }
0x7a: {  	_ =	shalt  }
0x7b: {  	_ =	shalt  }
0x7c: {  	_ =	shalt  }
0x7d: {  	_ =	shalt  }
0x7e: {  	_ =	shalt  }
0x7f: {  	_ =	shalt  }
0x80: {  	_ =	shalt  }
0x81: {  	_ =	shalt  }
0x82: {  	_ =	shalt  }
0x83: {  	_ =	shalt  }
0x84: {  	_ =	shalt  }
0x85: {  	_ =	shalt  }
0x86: {  	_ =	shalt  }
0x87: {  	_ =	shalt  }
.Lfunc_end0:
.L_simem_size_0:
called_computation_lowered:
.L_overlay_start_0:
0x88: {  	s2 =	sld [smem:$0x3FD9]  }
0x89: {  	s3 =	sld [smem:$0x3FFE];
	_ =	sdelay $0x1  }
0x8a: {  	s1 =	srdreg.scid  }
0x8b: {  	s0 =	sand.u32 $0x1, s1  }
0x8c: {  	s16 =	sshll.u32 s0, $0xA;
	s2 =	sadd.s32 s3, s2  }
0x8d: {  	s2 =	sadd.s32 s2, s16  }
0x8e: {  	[smem:$0x3FC2] =	sst s2  }
0x8f: {  	_ = 	snop  }
0x90: {  	(tm) =	ssettm $0x1  }
0x91: {  	s17 =	sld [smem:$0x3FFB];
	_ =	sdelay $0x3  }
0x92: {  	_ =	strace s17  }
0x93: {  	s2 =	sld [smem:$0x3FFC];
	_ =	sdelay $0x3  }
0x94: {  	_ =	strace s2  }
0x95: {  	s2 =	sld [smem:$0x3FFD];
	_ =	sdelay $0x3  }
0x96: {  	_ =	strace s2  }
0x97: {  	_ =	strace $0x8FFFFFFF  }
0x98: {  	s18 =	sld [smem:$0x3FDB];
	_ =	sdelay $0x1  }
0x99: {  	s19 =	simm.s32 $_scs_section_size  }
0x9a: {  	s4 =	simm.s32 $_size__tile_overlayer_lowered;
	s5 =	simm.s32 $_tile_overlayer_lowered  }
0x9b: {  	s22 =	simm.s32 $0x1BFF;
	s21 =	sshll.u32 s5, $0x1;
	s2 =	sadd.s32 s19, s18  }
0x9c: {  	s6 =	simm.s32 $0x0;
	s20 =	sshll.u32 s4, $0x1;
	s4 =	sadd.s32 s21, s2  }
0x9d: {  	[timem:s6], [sflag:s22] =	dma.local [hbm:s4], s20  }
0x9e: {  	_ =	swait.ge [sflag:s22], s20  }
0x9f: {  	s3 =	ssub.s32 $0x0, s20;
	[sflag:s22] =	ssyncset.done $0x0  }
0xa0: {  	[sflag:s22] =	ssyncadd.s32 s3;
	_ =	sdelay $0x1  }
0xa1: {  	s23 =	simm.s32 $0x1B8B  }
0xa2: {  	_ =	swait.ge [sflag:s23], $0x1  }
0xa3: {  	[sflag:s23] =	ssyncset.done $0x0  }
0xa4: {  	s25 =	simm.s32 $0x1B8E;
	s24 =	sld [smem:$0x3FFE];
	[sflag:s23] =	ssyncadd.s32 $0xFFFFFFFF  }
0xa5: {  	s26 =	simm.s32 $execute0_lowered;
	[smem:$0x3FD2] =	sst s25  }
0xa6: {  	s4 =	sshll.u32 s26, $0x1;
	_ =	strace $0x80000046;
	[dreg:$0x1] =	wrdreg $0xFFFFFFFF  }
0xa7: {  	s28 =	simm.s32 $_size_execute0_lowered;
	s2 =	sadd.s32 s2, s4;
	[dreg:$0x0] =	wrdreg $0x0  }
0xa8: {  	s4 =	sshll.u32 s28, $0x1;
	[dreg:$0x2] =	wrdreg s2  }
0xa9: {  	[dreg:$0x3] =	wrdreg s4  }
0xaa: {  	[dreg:$0x4] =	wrdreg $0xC0  }
0xab: {  	_ =	task [dreg:s6], $0x5FFFF  }
0xac: {  	[dreg:$0x1] =	wrdreg $0xFFFFFFFF  }
0xad: {  	[dreg:$0x0] =	wrdreg $0x60  }
0xae: {  	[dreg:$0x2] =	wrdreg s24  }
0xaf: {  	[dreg:$0x3] =	wrdreg $0x54000  }
0xb0: {  	[dreg:$0x4] =	wrdreg $0x9  }
0xb1: {  	_ =	task.clear_ibuf [dreg:s6], $0x5FFFF;
	_ =	strace $0x90000046  }
0xb2: {  	s29 =	simm.s32 $0x9;
	_ =	strace $0x80000048  }
0xb3: {  	_ =	swait.ge [sflag:s29], $0x1  }
0xb4: {  	[sflag:s29] =	ssyncadd.s32 $0xFFFFFFFF  }
0xb5: {  	_ =	strace $0x90000048  }
0xb6: {  	_ =	sfence  }
0xb7: {  	s30 =	sld [smem:$0x0];
	_ =	sdelay $0x2  }
0xb8: {  	s31 =	sshll.u32 s1, $0xD;
	s1 =	sshrl.u32 s1, $0x2  }
0xb9: {  	s3 =	sand.u32 $0x4000, s31;
	s1 =	sadd.s32 s1, s30  }
0xba: {  	s0 =	sor.u32 s3, s0;
	s1 =	sshll.u32 s1, $0x11  }
0xbb: {  	s0 =	sor.u32 s1, s0  }
0xbc: {  	s0 =	sadd.s32 $0x8F2B, s0  }
0xbd: {  	[sflag:s0] =	ssyncadd.remote.s32 $0x1  }
0xbe: {  	_ =	sfence.sel $0xFFFF  }
0xbf: {  	[dreg:$0x0] =	wrdreg $0xFFFFFFFF;
	(pc) =	sbr.abs _section_cstart, $3  }
0xc0: {  	[dreg:$0x1] =	wrdreg $0xFFFFFFFF  }
0xc1: {  	_ =	task.clear_ibuf [dreg:s6], $0x2FFFF;
	_ =	strace $0x9FFFFFFF  }
0xc2: {  	(tm) =	ssettm $0x7FFFFFFF  }
0xc3: {  	_ =	shalt  }
tec
execute0_lowered:
.L_overlay_start_1:
0x0: {  	(tag) =	ssettag $0x1  }
0x1: {  	s0 =	srdreg.scid  }
0x2: {  	s8 =	stileid.u32;
	s4 =	rddreg [dreg:$0x0]  }
0x3: {  	s2 =	rddreg [dreg:$0x1];
	s3 =	simm.s32 $0x0;
	s12 =	simm.s32 $0x2  }
0x4: {  	s13 =	simm.s32 $0x1400;
	s14 =	simm.s32 $0x80;
	s9 =	simm.s32 $0xC00  }
0x5: {  	s10 =	simm.s32 $0xC80;
	s15 =	simm.s32 $0xD00;
	s16 =	simm.s32 $0xD80  }
0x6: {  	s17 =	simm.s32 $0xE00;
	s18 =	simm.s32 $0xE80;
	s19 =	simm.s32 $0xF00  }
0x7: {  	s28 =	simm.s32 $0x1300;
	s29 =	simm.s32 $0x1380;
	s30 =	simm.s32 $0x1  }
0x8: {  	s31 =	simm.s32 $0x0;
	s0 =	sand.u32 $0x1, s0;
	s5 =	smul.u32 $0x14000, s8  }
0x9: {  	[smem:$0x7FF] =	sst s3;
	s7 =	sadd.s32 $0xBE00, s4;
	s21 =	smul.u32 $0x50000, s8  }
0xa: {  	s24 =	sshll.u32 s8, $0x6;
	s1 =	sshll.u32 s0, $0x4;
	s6 =	smul.u32 $0x140000, s0  }
0xb: {  	_ =	strace $0x80000047;
	[dreg:$0x3] =	wrdreg s7;
	s0 =	ssub.s32 $0x2, s0  }
0xc: {  	s1 =	sor.u32 s8, s1;
	s20 =	sshrl.u32 s5, $0x3;
	s22 =	sshrl.u32 s0, $0x1  }
0xd: {  	s23 =	sshrl.u32 s21, $0x2;
	s8 =	simm.s32 $0xB80;
	s21 =	simm.s32 $0x1000  }
0xe: {  	s1 =	smul.u32 $0x500, s1;
	s5 =	sadd.s32 s5, s6;
	s7 =	sadd.s32 s20, s4  }
0xf: {  	s0 =	ssub.s32 s0, s22;
	s6 =	sor.u32 $0x1C02, s24;
	s20 =	simm.s32 $0xF80  }
0x10: {  	s22 =	simm.s32 $0x1080;
	s24 =	simm.s32 $0x1180;
	s5 =	sshrl.u32 s5, $0x3  }
0x11: {  	s7 =	sadd.s32 $0xC600, s7;
	s0 =	smax.u32 s0, $0x1;
	s1 =	sadd.s32 s1, s4  }
0x12: {  	s4 =	sadd.s32 s5, s4;
	s5 =	sadd.s32 s23, s2;
	[dreg:$0x4] =	wrdreg s7  }
0x13: {  	[dreg:$0x6] =	wrdreg s0;
	s0 =	simm.s32 $0x980;
	s4 =	sadd.s32 $0x34600, s4  }
0x14: {  	s7 =	simm.s32 $0xB00;
	s25 =	sadd.s32 $0x1E00, s1;
	[dreg:$0x5] =	wrdreg s4  }
0x15: {  	s23 =	simm.s32 $0x1100;
	s26 =	sadd.s32 $0x2080, s1;
	[dreg:$0x7] =	wrdreg s25  }
0x16: {  	s11 =	sshrl.u32 s5, $0x3;
	s5 =	simm.s32 $0xA80;
	[dreg:$0x8] =	wrdreg s26  }
0x17: {  	s4 =	simm.s32 $0xA00;
	s25 =	simm.s32 $0x1200;
	s26 =	simm.s32 $0x1280  }
.LBB2_1:
0x18: {  	s1 =	rddreg [dreg:$0x4]  }
0x19: {  	[spmem:s11], [sflag:s6] =	dma.local [hbm:s1], $0x2800  }
0x1a: {  	_ =	swait.ge [sflag:s12], $0x2800  }
0x1b: {  	[sflag:s12] =	ssyncset.done $0x0  }
0x1c: {  	s1 =	rddreg [dreg:$0x3];
	[sflag:s12] =	ssyncadd.s32 $0xFFFFD800  }
0x1d: {  	[tilespmem:s13], [sflag:$0x2] =	stream.linear.gather [hbm4b:s1+s3], $0x4000, $0x38;
	[tilespmem:$0x19400] =	vst v63  }
0x1e: {  	_ =	swait.ge [sflag:s12], $0x4000  }
0x1f: {  	[sflag:s12] =	ssyncset.done $0x0  }
0x20: {  	[sflag:s12] =	ssyncadd.s32 $0xFFFFC000  }
0x21: {  	[bflag:$0x0] =	sbarrier.arrive $0xFFFF  }
0x22: {  	s1 =	rddreg [dreg:$0x7]  }
0x23: {  	[tilespmem:s3], [sflag:$0x2] =	stream.linear.gather [hbm4b:s1+s3], $0x1400, $0x38;
	[tilespmem:$0x19400] =	vst v63  }
0x24: {  	_ =	swait.ge [sflag:s12], $0x1400  }
0x25: {  	[sflag:s12] =	ssyncset.done $0x0  }
0x26: {  	[sflag:s12] =	ssyncadd.s32 $0xFFFFEC00  }
0x27: {  	[spmem:s2] =	stream.indirect.scatter.add.f32 [tilespmem:s13], [sflag:$0x1], $0x80, s3, s14, $0xb8;
	[tilespmem:$0x19400] =	vst v63  }
0x28: {  	_ = 	snop  }
0x29: {  	[spmem:s2] =	stream.indirect.scatter.add.f32 [tilespmem:s13], [sflag:$0x1], $0x80, s14, s14, $0xb8;
	[tilespmem:$0x19400] =	vst v63  }
0x2a: {  	s1 =	simm.s32 $0x100  }
0x2b: {  	[spmem:s2] =	stream.indirect.scatter.add.f32 [tilespmem:s13], [sflag:$0x1], $0x80, s1, s14, $0xb8;
	[tilespmem:$0x19400] =	vst v63  }
0x2c: {  	s1 =	simm.s32 $0x180  }
0x2d: {  	[spmem:s2] =	stream.indirect.scatter.add.f32 [tilespmem:s13], [sflag:$0x1], $0x80, s1, s14, $0xb8;
	[tilespmem:$0x19400] =	vst v63  }
0x2e: {  	s1 =	simm.s32 $0x200  }
0x2f: {  	[spmem:s2] =	stream.indirect.scatter.add.f32 [tilespmem:s13], [sflag:$0x1], $0x80, s1, s14, $0xb8;
	[tilespmem:$0x19400] =	vst v63  }
0x30: {  	s1 =	simm.s32 $0x280  }
0x31: {  	[spmem:s2] =	stream.indirect.scatter.add.f32 [tilespmem:s13], [sflag:$0x1], $0x80, s1, s14, $0xb8;
	[tilespmem:$0x19400] =	vst v63  }
0x32: {  	s1 =	simm.s32 $0x300  }
0x33: {  	[spmem:s2] =	stream.indirect.scatter.add.f32 [tilespmem:s13], [sflag:$0x1], $0x80, s1, s14, $0xb8;
	[tilespmem:$0x19400] =	vst v63  }
0x34: {  	s1 =	simm.s32 $0x380  }
0x35: {  	[spmem:s2] =	stream.indirect.scatter.add.f32 [tilespmem:s13], [sflag:$0x1], $0x80, s1, s14, $0xb8;
	[tilespmem:$0x19400] =	vst v63  }
0x36: {  	s1 =	simm.s32 $0x400  }
0x37: {  	[spmem:s2] =	stream.indirect.scatter.add.f32 [tilespmem:s13], [sflag:$0x1], $0x80, s1, s14, $0xb8;
	[tilespmem:$0x19400] =	vst v63  }
0x38: {  	s1 =	simm.s32 $0x480  }
0x39: {  	[spmem:s2] =	stream.indirect.scatter.add.f32 [tilespmem:s13], [sflag:$0x1], $0x80, s1, s14, $0xb8;
	[tilespmem:$0x19400] =	vst v63  }
0x3a: {  	s1 =	simm.s32 $0x500  }
0x3b: {  	[spmem:s2] =	stream.indirect.scatter.add.f32 [tilespmem:s13], [sflag:$0x1], $0x80, s1, s14, $0xb8;
	[tilespmem:$0x19400] =	vst v63  }
0x3c: {  	s1 =	simm.s32 $0x580  }
0x3d: {  	[spmem:s2] =	stream.indirect.scatter.add.f32 [tilespmem:s13], [sflag:$0x1], $0x80, s1, s14, $0xb8;
	[tilespmem:$0x19400] =	vst v63  }
0x3e: {  	s1 =	simm.s32 $0x600  }
0x3f: {  	[spmem:s2] =	stream.indirect.scatter.add.f32 [tilespmem:s13], [sflag:$0x1], $0x80, s1, s14, $0xb8;
	[tilespmem:$0x19400] =	vst v63  }
0x40: {  	s1 =	simm.s32 $0x680  }
0x41: {  	[spmem:s2] =	stream.indirect.scatter.add.f32 [tilespmem:s13], [sflag:$0x1], $0x80, s1, s14, $0xb8;
	[tilespmem:$0x19400] =	vst v63  }
0x42: {  	s1 =	simm.s32 $0x700  }
0x43: {  	[spmem:s2] =	stream.indirect.scatter.add.f32 [tilespmem:s13], [sflag:$0x1], $0x80, s1, s14, $0xb8;
	[tilespmem:$0x19400] =	vst v63  }
0x44: {  	s1 =	simm.s32 $0x780  }
0x45: {  	[spmem:s2] =	stream.indirect.scatter.add.f32 [tilespmem:s13], [sflag:$0x1], $0x80, s1, s14, $0xb8;
	[tilespmem:$0x19400] =	vst v63  }
0x46: {  	s1 =	simm.s32 $0x800  }
0x47: {  	[spmem:s2] =	stream.indirect.scatter.add.f32 [tilespmem:s13], [sflag:$0x1], $0x80, s1, s14, $0xb8;
	[tilespmem:$0x19400] =	vst v63  }
0x48: {  	s1 =	simm.s32 $0x880  }
0x49: {  	[spmem:s2] =	stream.indirect.scatter.add.f32 [tilespmem:s13], [sflag:$0x1], $0x80, s1, s14, $0xb8;
	[tilespmem:$0x19400] =	vst v63  }
0x4a: {  	s1 =	simm.s32 $0x900  }
0x4b: {  	[spmem:s2] =	stream.indirect.scatter.add.f32 [tilespmem:s13], [sflag:$0x1], $0x80, s1, s14, $0xb8;
	[tilespmem:$0x19400] =	vst v63  }
0x4c: {  	_ = 	snop  }
0x4d: {  	[spmem:s2] =	stream.indirect.scatter.add.f32 [tilespmem:s13], [sflag:$0x1], $0x80, s0, s14, $0xb8;
	[tilespmem:$0x19400] =	vst v63  }
0x4e: {  	_ = 	snop  }
0x4f: {  	[spmem:s2] =	stream.indirect.scatter.add.f32 [tilespmem:s13], [sflag:$0x1], $0x80, s4, s14, $0xb8;
	[tilespmem:$0x19400] =	vst v63  }
0x50: {  	_ = 	snop  }
0x51: {  	[spmem:s2] =	stream.indirect.scatter.add.f32 [tilespmem:s13], [sflag:$0x1], $0x80, s5, s14, $0xb8;
	[tilespmem:$0x19400] =	vst v63  }
0x52: {  	_ = 	snop  }
0x53: {  	[spmem:s2] =	stream.indirect.scatter.add.f32 [tilespmem:s13], [sflag:$0x1], $0x80, s7, s14, $0xb8;
	[tilespmem:$0x19400] =	vst v63  }
0x54: {  	_ = 	snop  }
0x55: {  	[spmem:s2] =	stream.indirect.scatter.add.f32 [tilespmem:s13], [sflag:$0x1], $0x80, s8, s14, $0xb8;
	[tilespmem:$0x19400] =	vst v63  }
0x56: {  	_ = 	snop  }
0x57: {  	[spmem:s2] =	stream.indirect.scatter.add.f32 [tilespmem:s13], [sflag:$0x1], $0x80, s9, s14, $0xb8;
	[tilespmem:$0x19400] =	vst v63  }
0x58: {  	_ = 	snop  }
0x59: {  	[spmem:s2] =	stream.indirect.scatter.add.f32 [tilespmem:s13], [sflag:$0x1], $0x80, s10, s14, $0xb8;
	[tilespmem:$0x19400] =	vst v63  }
0x5a: {  	_ = 	snop  }
0x5b: {  	[spmem:s2] =	stream.indirect.scatter.add.f32 [tilespmem:s13], [sflag:$0x1], $0x80, s15, s14, $0xb8;
	[tilespmem:$0x19400] =	vst v63  }
0x5c: {  	_ = 	snop  }
0x5d: {  	[spmem:s2] =	stream.indirect.scatter.add.f32 [tilespmem:s13], [sflag:$0x1], $0x80, s16, s14, $0xb8;
	[tilespmem:$0x19400] =	vst v63  }
0x5e: {  	_ = 	snop  }
0x5f: {  	[spmem:s2] =	stream.indirect.scatter.add.f32 [tilespmem:s13], [sflag:$0x1], $0x80, s17, s14, $0xb8;
	[tilespmem:$0x19400] =	vst v63  }
0x60: {  	_ = 	snop  }
0x61: {  	[spmem:s2] =	stream.indirect.scatter.add.f32 [tilespmem:s13], [sflag:$0x1], $0x80, s18, s14, $0xb8;
	[tilespmem:$0x19400] =	vst v63  }
0x62: {  	_ = 	snop  }
0x63: {  	[spmem:s2] =	stream.indirect.scatter.add.f32 [tilespmem:s13], [sflag:$0x1], $0x80, s19, s14, $0xb8;
	[tilespmem:$0x19400] =	vst v63  }
0x64: {  	_ = 	snop  }
0x65: {  	[spmem:s2] =	stream.indirect.scatter.add.f32 [tilespmem:s13], [sflag:$0x1], $0x80, s20, s14, $0xb8;
	[tilespmem:$0x19400] =	vst v63  }
0x66: {  	_ = 	snop  }
0x67: {  	[spmem:s2] =	stream.indirect.scatter.add.f32 [tilespmem:s13], [sflag:$0x1], $0x80, s21, s14, $0xb8;
	[tilespmem:$0x19400] =	vst v63  }
0x68: {  	_ = 	snop  }
0x69: {  	[spmem:s2] =	stream.indirect.scatter.add.f32 [tilespmem:s13], [sflag:$0x1], $0x80, s22, s14, $0xb8;
	[tilespmem:$0x19400] =	vst v63  }
0x6a: {  	_ = 	snop  }
0x6b: {  	[spmem:s2] =	stream.indirect.scatter.add.f32 [tilespmem:s13], [sflag:$0x1], $0x80, s23, s14, $0xb8;
	[tilespmem:$0x19400] =	vst v63  }
0x6c: {  	_ = 	snop  }
0x6d: {  	[spmem:s2] =	stream.indirect.scatter.add.f32 [tilespmem:s13], [sflag:$0x1], $0x80, s24, s14, $0xb8;
	[tilespmem:$0x19400] =	vst v63  }
0x6e: {  	_ = 	snop  }
0x6f: {  	[spmem:s2] =	stream.indirect.scatter.add.f32 [tilespmem:s13], [sflag:$0x1], $0x80, s25, s14, $0xb8;
	[tilespmem:$0x19400] =	vst v63  }
0x70: {  	_ = 	snop  }
0x71: {  	[spmem:s2] =	stream.indirect.scatter.add.f32 [tilespmem:s13], [sflag:$0x1], $0x80, s26, s14, $0xb8;
	[tilespmem:$0x19400] =	vst v63  }
0x72: {  	_ = 	snop  }
0x73: {  	[spmem:s2] =	stream.indirect.scatter.add.f32 [tilespmem:s13], [sflag:$0x1], $0x80, s28, s14, $0xb8;
	[tilespmem:$0x19400] =	vst v63  }
0x74: {  	_ = 	snop  }
0x75: {  	[spmem:s2] =	stream.indirect.scatter.add.f32 [tilespmem:s13], [sflag:$0x1], $0x80, s29, s14, $0xb8;
	[tilespmem:$0x19400] =	vst v63  }
0x76: {  	_ =	swait.ge [sflag:s30], $0x4000  }
0x77: {  	s1 =	simm.s32 $0x27;
	[sflag:s30] =	ssyncset.done $0x0  }
.LBB2_2:
0x78: {  	p0 =	sne.s32 s1, $0x1;
	s1 =	sadd.s32 $0xFFFFFFFF, s1;
	[sflag:s30] =	ssyncadd.s32 $0xFFFFC000  }
.Ltmp0:
0x79: {  	(pc) =	sbr.rel @p0 .LBB2_2-.Ltmp0, $3  }
0x7a: {  	_ =	sdelay $0x1  }
0x7b: {  	_ =	swait.ge [sflag:s30], $0x4000  }
0x7c: {  	[sflag:s30] =	ssyncset.done $0x0  }
0x7d: {  	[sflag:s30] =	ssyncadd.s32 $0xFFFFC000;
	s1 =	rddreg [dreg:$0x8]  }
0x7e: {  	[tilespmem:s3], [sflag:$0x2] =	stream.linear.gather [hbm4b:s1+s3], $0x1400, $0x38;
	[tilespmem:$0x19400] =	vst v63  }
0x7f: {  	_ =	swait.ge [sflag:s12], $0x1400  }
0x80: {  	[sflag:s12] =	ssyncset.done $0x0  }
0x81: {  	[sflag:s12] =	ssyncadd.s32 $0xFFFFEC00  }
0x82: {  	[spmem:s2] =	stream.indirect.scatter.add.f32 [tilespmem:s13], [sflag:$0x1], $0x80, s3, s14, $0xb8;
	[tilespmem:$0x19400] =	vst v63  }
0x83: {  	_ = 	snop  }
0x84: {  	[spmem:s2] =	stream.indirect.scatter.add.f32 [tilespmem:s13], [sflag:$0x1], $0x80, s14, s14, $0xb8;
	[tilespmem:$0x19400] =	vst v63  }
0x85: {  	s1 =	simm.s32 $0x100  }
0x86: {  	[spmem:s2] =	stream.indirect.scatter.add.f32 [tilespmem:s13], [sflag:$0x1], $0x80, s1, s14, $0xb8;
	[tilespmem:$0x19400] =	vst v63  }
0x87: {  	s1 =	simm.s32 $0x180  }
0x88: {  	[spmem:s2] =	stream.indirect.scatter.add.f32 [tilespmem:s13], [sflag:$0x1], $0x80, s1, s14, $0xb8;
	[tilespmem:$0x19400] =	vst v63  }
0x89: {  	s1 =	simm.s32 $0x200  }
0x8a: {  	[spmem:s2] =	stream.indirect.scatter.add.f32 [tilespmem:s13], [sflag:$0x1], $0x80, s1, s14, $0xb8;
	[tilespmem:$0x19400] =	vst v63  }
0x8b: {  	s1 =	simm.s32 $0x280  }
0x8c: {  	[spmem:s2] =	stream.indirect.scatter.add.f32 [tilespmem:s13], [sflag:$0x1], $0x80, s1, s14, $0xb8;
	[tilespmem:$0x19400] =	vst v63  }
0x8d: {  	s1 =	simm.s32 $0x300  }
0x8e: {  	[spmem:s2] =	stream.indirect.scatter.add.f32 [tilespmem:s13], [sflag:$0x1], $0x80, s1, s14, $0xb8;
	[tilespmem:$0x19400] =	vst v63  }
0x8f: {  	s1 =	simm.s32 $0x380  }
0x90: {  	[spmem:s2] =	stream.indirect.scatter.add.f32 [tilespmem:s13], [sflag:$0x1], $0x80, s1, s14, $0xb8;
	[tilespmem:$0x19400] =	vst v63  }
0x91: {  	s1 =	simm.s32 $0x400  }
0x92: {  	[spmem:s2] =	stream.indirect.scatter.add.f32 [tilespmem:s13], [sflag:$0x1], $0x80, s1, s14, $0xb8;
	[tilespmem:$0x19400] =	vst v63  }
0x93: {  	s1 =	simm.s32 $0x480  }
0x94: {  	[spmem:s2] =	stream.indirect.scatter.add.f32 [tilespmem:s13], [sflag:$0x1], $0x80, s1, s14, $0xb8;
	[tilespmem:$0x19400] =	vst v63  }
0x95: {  	s1 =	simm.s32 $0x500  }
0x96: {  	[spmem:s2] =	stream.indirect.scatter.add.f32 [tilespmem:s13], [sflag:$0x1], $0x80, s1, s14, $0xb8;
	[tilespmem:$0x19400] =	vst v63  }
0x97: {  	s1 =	simm.s32 $0x580  }
0x98: {  	[spmem:s2] =	stream.indirect.scatter.add.f32 [tilespmem:s13], [sflag:$0x1], $0x80, s1, s14, $0xb8;
	[tilespmem:$0x19400] =	vst v63  }
0x99: {  	s1 =	simm.s32 $0x600  }
0x9a: {  	[spmem:s2] =	stream.indirect.scatter.add.f32 [tilespmem:s13], [sflag:$0x1], $0x80, s1, s14, $0xb8;
	[tilespmem:$0x19400] =	vst v63  }
0x9b: {  	s1 =	simm.s32 $0x680  }
0x9c: {  	[spmem:s2] =	stream.indirect.scatter.add.f32 [tilespmem:s13], [sflag:$0x1], $0x80, s1, s14, $0xb8;
	[tilespmem:$0x19400] =	vst v63  }
0x9d: {  	s1 =	simm.s32 $0x700  }
0x9e: {  	[spmem:s2] =	stream.indirect.scatter.add.f32 [tilespmem:s13], [sflag:$0x1], $0x80, s1, s14, $0xb8;
	[tilespmem:$0x19400] =	vst v63  }
0x9f: {  	s1 =	simm.s32 $0x780  }
0xa0: {  	[spmem:s2] =	stream.indirect.scatter.add.f32 [tilespmem:s13], [sflag:$0x1], $0x80, s1, s14, $0xb8;
	[tilespmem:$0x19400] =	vst v63  }
0xa1: {  	s1 =	simm.s32 $0x800  }
0xa2: {  	[spmem:s2] =	stream.indirect.scatter.add.f32 [tilespmem:s13], [sflag:$0x1], $0x80, s1, s14, $0xb8;
	[tilespmem:$0x19400] =	vst v63  }
0xa3: {  	s1 =	simm.s32 $0x880  }
0xa4: {  	[spmem:s2] =	stream.indirect.scatter.add.f32 [tilespmem:s13], [sflag:$0x1], $0x80, s1, s14, $0xb8;
	[tilespmem:$0x19400] =	vst v63  }
0xa5: {  	s1 =	simm.s32 $0x900  }
0xa6: {  	[spmem:s2] =	stream.indirect.scatter.add.f32 [tilespmem:s13], [sflag:$0x1], $0x80, s1, s14, $0xb8;
	[tilespmem:$0x19400] =	vst v63  }
0xa7: {  	_ = 	snop  }
0xa8: {  	[spmem:s2] =	stream.indirect.scatter.add.f32 [tilespmem:s13], [sflag:$0x1], $0x80, s0, s14, $0xb8;
	[tilespmem:$0x19400] =	vst v63  }
0xa9: {  	_ = 	snop  }
0xaa: {  	[spmem:s2] =	stream.indirect.scatter.add.f32 [tilespmem:s13], [sflag:$0x1], $0x80, s4, s14, $0xb8;
	[tilespmem:$0x19400] =	vst v63  }
0xab: {  	_ = 	snop  }
0xac: {  	[spmem:s2] =	stream.indirect.scatter.add.f32 [tilespmem:s13], [sflag:$0x1], $0x80, s5, s14, $0xb8;
	[tilespmem:$0x19400] =	vst v63  }
0xad: {  	_ = 	snop  }
0xae: {  	[spmem:s2] =	stream.indirect.scatter.add.f32 [tilespmem:s13], [sflag:$0x1], $0x80, s7, s14, $0xb8;
	[tilespmem:$0x19400] =	vst v63  }
0xaf: {  	_ = 	snop  }
0xb0: {  	[spmem:s2] =	stream.indirect.scatter.add.f32 [tilespmem:s13], [sflag:$0x1], $0x80, s8, s14, $0xb8;
	[tilespmem:$0x19400] =	vst v63  }
0xb1: {  	_ = 	snop  }
0xb2: {  	[spmem:s2] =	stream.indirect.scatter.add.f32 [tilespmem:s13], [sflag:$0x1], $0x80, s9, s14, $0xb8;
	[tilespmem:$0x19400] =	vst v63  }
0xb3: {  	_ = 	snop  }
0xb4: {  	[spmem:s2] =	stream.indirect.scatter.add.f32 [tilespmem:s13], [sflag:$0x1], $0x80, s10, s14, $0xb8;
	[tilespmem:$0x19400] =	vst v63  }
0xb5: {  	_ = 	snop  }
0xb6: {  	[spmem:s2] =	stream.indirect.scatter.add.f32 [tilespmem:s13], [sflag:$0x1], $0x80, s15, s14, $0xb8;
	[tilespmem:$0x19400] =	vst v63  }
0xb7: {  	_ = 	snop  }
0xb8: {  	[spmem:s2] =	stream.indirect.scatter.add.f32 [tilespmem:s13], [sflag:$0x1], $0x80, s16, s14, $0xb8;
	[tilespmem:$0x19400] =	vst v63  }
0xb9: {  	_ = 	snop  }
0xba: {  	[spmem:s2] =	stream.indirect.scatter.add.f32 [tilespmem:s13], [sflag:$0x1], $0x80, s17, s14, $0xb8;
	[tilespmem:$0x19400] =	vst v63  }
0xbb: {  	_ = 	snop  }
0xbc: {  	[spmem:s2] =	stream.indirect.scatter.add.f32 [tilespmem:s13], [sflag:$0x1], $0x80, s18, s14, $0xb8;
	[tilespmem:$0x19400] =	vst v63  }
0xbd: {  	_ = 	snop  }
0xbe: {  	[spmem:s2] =	stream.indirect.scatter.add.f32 [tilespmem:s13], [sflag:$0x1], $0x80, s19, s14, $0xb8;
	[tilespmem:$0x19400] =	vst v63  }
0xbf: {  	_ = 	snop  }
0xc0: {  	[spmem:s2] =	stream.indirect.scatter.add.f32 [tilespmem:s13], [sflag:$0x1], $0x80, s20, s14, $0xb8;
	[tilespmem:$0x19400] =	vst v63  }
0xc1: {  	_ = 	snop  }
0xc2: {  	[spmem:s2] =	stream.indirect.scatter.add.f32 [tilespmem:s13], [sflag:$0x1], $0x80, s21, s14, $0xb8;
	[tilespmem:$0x19400] =	vst v63  }
0xc3: {  	_ = 	snop  }
0xc4: {  	[spmem:s2] =	stream.indirect.scatter.add.f32 [tilespmem:s13], [sflag:$0x1], $0x80, s22, s14, $0xb8;
	[tilespmem:$0x19400] =	vst v63  }
0xc5: {  	_ = 	snop  }
0xc6: {  	[spmem:s2] =	stream.indirect.scatter.add.f32 [tilespmem:s13], [sflag:$0x1], $0x80, s23, s14, $0xb8;
	[tilespmem:$0x19400] =	vst v63  }
0xc7: {  	_ = 	snop  }
0xc8: {  	[spmem:s2] =	stream.indirect.scatter.add.f32 [tilespmem:s13], [sflag:$0x1], $0x80, s24, s14, $0xb8;
	[tilespmem:$0x19400] =	vst v63  }
0xc9: {  	_ = 	snop  }
0xca: {  	[spmem:s2] =	stream.indirect.scatter.add.f32 [tilespmem:s13], [sflag:$0x1], $0x80, s25, s14, $0xb8;
	[tilespmem:$0x19400] =	vst v63  }
0xcb: {  	_ = 	snop  }
0xcc: {  	[spmem:s2] =	stream.indirect.scatter.add.f32 [tilespmem:s13], [sflag:$0x1], $0x80, s26, s14, $0xb8;
	[tilespmem:$0x19400] =	vst v63  }
0xcd: {  	_ = 	snop  }
0xce: {  	[spmem:s2] =	stream.indirect.scatter.add.f32 [tilespmem:s13], [sflag:$0x1], $0x80, s28, s14, $0xb8;
	[tilespmem:$0x19400] =	vst v63  }
0xcf: {  	_ = 	snop  }
0xd0: {  	[spmem:s2] =	stream.indirect.scatter.add.f32 [tilespmem:s13], [sflag:$0x1], $0x80, s29, s14, $0xb8;
	[tilespmem:$0x19400] =	vst v63  }
0xd1: {  	_ =	swait.ge [sflag:s30], $0x4000  }
0xd2: {  	s1 =	simm.s32 $0x27;
	[sflag:s30] =	ssyncset.done $0x0  }
.LBB2_4:
0xd3: {  	p0 =	sne.s32 s1, $0x1;
	s1 =	sadd.s32 $0xFFFFFFFF, s1;
	[sflag:s30] =	ssyncadd.s32 $0xFFFFC000  }
.Ltmp1:
0xd4: {  	(pc) =	sbr.rel @p0 .LBB2_4-.Ltmp1, $3  }
0xd5: {  	_ =	sdelay $0x1  }
0xd6: {  	_ =	swait.ge [sflag:s30], $0x4000  }
0xd7: {  	[sflag:s30] =	ssyncset.done $0x0  }
0xd8: {  	[sflag:s30] =	ssyncadd.s32 $0xFFFFC000  }
0xd9: {  	[bflag:$0x0] =	sbarrier.arrive $0xFFFF  }
0xda: {  	s1 =	rddreg [dreg:$0x5]  }
0xdb: {  	[hbm:s1], [sflag:s6] =	dma.local [spmem:s11], $0x2800  }
0xdc: {  	_ =	swait.ge [sflag:s12], $0x2800  }
0xdd: {  	s31 =	sadd.s32 $0x1, s31;
	s1 =	rddreg [dreg:$0x6]  }
0xde: {  	p0 =	sne.s32 s31, s1  }
.Ltmp2:
0xdf: {  	_ = 	snop;
	(pc) =	sbr.rel @p0 .LBB2_1-.Ltmp2, $3  }
0xe0: {  	_ =	sdelay $0x1  }
0xe1: {  	[sflag:s12] =	ssyncset.done $0x0  }
0xe2: {  	[sflag:s12] =	ssyncadd.s32 $0xFFFFD800  }
0xe3: {  	_ =	sfence.sel $0x180000  }
0xe4: {  	[bflag:$0x0] =	sbarrier.arrive $0xFFFF  }
0xe5: {  	_ =	strace $0x90000047  }
0xe6: {  	s0 =	stileid.u32;
	[bflag:$0x2] =	sbarrier.arrive $0xFFFF  }
0xe7: {  	p0 =	sne.s32 s0, $0x0;
	s0 =	rddreg [dreg:$0x2]  }
0xe8: {  	s0 =	sadd.s32 @!p0 $0x100000, s0  }
0xe9: {  	[sflag:s0] =	ssyncadd.tile.s32 @!p0 $0x1;
	_ =	shalt  }
.Lfunc_end2:
_tile_overlayer_lowered:
.L_overlay_start_2:
0xea: {  	(tag) =	ssettag $0x2  }
0xeb: {  	s0 =	rddreg [dreg:$0x0];
	s2 =	stileid.u32  }
0xec: {  	s1 =	rddreg [dreg:$0x1];
	p0 =	sne.s32 s2, $0x0  }
0xed: {  	s3 =	rddreg [dreg:$0x2];
	[bflag:$0x3] =	sbarrier.arrive $0xFFFF;
	s2 =	simm.s32 @!p0 $0x1C02  }
0xee: {  	[timem:s3], [sflag:s2] =	dma.local @!p0 [hbm:s0], s1  }
0xef: {  	s0 =	simm.s32 @!p0 $0x2  }
0xf0: {  	_ =	swait.ge @!p0 [sflag:s0], s1  }
0xf1: {  	s1 =	ssub.s32 @!p0 $0x0, s1;
	[sflag:s0] =	ssyncset.done @!p0 $0x0  }
0xf2: {  	[sflag:s0] =	ssyncadd.s32 @!p0 s1  }
0xf3: {  	[bflag:$0x3] =	sbarrier.arrive $0xFFFF  }
0xf4: {  	_ =	shalt  }

</sc_bundles>
